<compile_context>
chip_gen: v7x
topology: tpu7x:2x2x1
jax: 0.10.2.dev20260603
libtpu: 0.0.44.dev20260713+nightly
codegen_flags: <defaults>
</compile_context>

<pallas_src>
import jax
import jax.numpy as jnp
import numpy as np
from jax import lax
from jax.experimental import pallas as pl
from jax.experimental.pallas import tpu as pltpu
from jax.experimental.pallas import tpu_sc as plsc

_NUM_PATCHES = 1024
_N_PATHS = 2
_NPP = 512
_BATCH = 64
_C = 192

_NC = 2
_NS = 16
_NW = _NC * _NS

_CB = _C // 8
_STRIPS_PER_W = _BATCH * _CB // _NW
_L = 16
_G = _NPP // _L

_FLAT_PATCH_IDX = np.array([469, 751, 513, 685, 281, 151, 267, 881, 174, 329, 414, 525, 401, 321, 295, 446, 411, 360, 1016, 137, 548, 245, 865, 966, 171, 273, 440, 476, 572, 206, 701, 125, 617, 724, 436, 929, 494, 40, 723, 493, 595, 398, 524, 683, 28, 877, 647, 728, 104, 441, 547, 58, 319, 483, 822, 950, 597, 482, 94, 61, 861, 423, 165, 294, 318, 552, 277, 131, 740, 408, 598, 843, 732, 532, 206, 514, 447, 64, 608, 287, 728, 737, 693, 78, 610, 609, 103, 102, 59, 124, 443, 471, 490, 642, 416, 998, 687, 184, 351, 323, 283, 143, 624, 103, 217, 798, 535, 556, 3, 860, 866, 388, 968, 613, 929, 263, 584, 140, 302, 197, 749, 383, 305, 485, 665, 1019, 218, 893, 229, 114, 67, 842, 69, 548, 540, 764, 969, 969, 695, 341, 232, 991, 65, 111, 629, 207, 860, 990, 792, 594, 759, 865, 958, 179, 12, 119, 917, 109, 710, 617, 953, 777, 746, 432, 755, 519, 885, 851, 266, 96, 188, 513, 577, 631, 415, 586, 95, 595, 810, 208, 508, 608, 706, 422, 456, 229, 518, 144, 38, 665, 87, 975, 657, 759, 82, 791, 976, 788, 279, 192, 903, 395, 765, 13, 659, 236, 805, 494, 789, 633, 568, 542, 887, 503, 891, 610, 264, 812, 273, 293, 893, 978, 137, 478, 806, 116, 529, 657, 646, 442, 122, 678, 775, 859, 193, 855, 868, 562, 737, 1018, 884, 348, 894, 302, 1010, 825, 474, 641, 801, 549, 400, 1000, 667, 89, 799, 220, 304, 299, 292, 472, 709, 387, 396, 815, 650, 882, 826, 1010, 766, 557, 690, 27, 683, 638, 4, 35, 689, 534, 488, 922, 398, 399, 107, 440, 238, 1004, 9, 660, 778, 1003, 359, 827, 310, 409, 159, 264, 478, 320, 760, 444, 462, 1011, 254, 630, 681, 23, 774, 363, 593, 266, 874, 895, 146, 589, 588, 715, 754, 330, 286, 871, 480, 829, 613, 672, 942, 317, 2, 129, 164, 4, 570, 196, 463, 652, 753, 191, 230, 150, 108, 862, 275, 960, 811, 853, 177, 591, 236, 138, 616, 426, 940, 624, 662, 177, 353, 529, 54, 328, 950, 164, 371, 903, 73, 84, 965, 410, 81, 168, 905, 569, 663, 130, 961, 904, 40, 826, 620, 940, 428, 644, 1022, 1014, 228, 785, 5, 337, 1005, 686, 410, 643, 423, 217, 869, 424, 362, 668, 558, 451, 45, 956, 704, 1017, 918, 880, 285, 280, 309, 160, 280, 883, 330, 563, 729, 694, 18, 492, 523, 858, 504, 876, 437, 526, 736, 582, 688, 891, 730, 970, 843, 840, 205, 135, 718, 487, 521, 5, 849, 24, 639, 693, 450, 745, 336, 539, 840, 405, 575, 136, 342, 93, 106, 272, 984, 839, 492, 670, 633, 972, 71, 288, 914, 296, 255, 646, 167, 161, 507, 285, 110, 915, 1013, 632, 405, 367, 417, 51, 1014, 800, 372, 45, 919, 474, 696, 844, 70, 607, 101, 1022, 707, 508, 745, 780, 26, 68, 14, 214, 519, 9, 821, 427, 84, 267, 435, 258, 123, 559, 882, 216, 421, 94, 888, 307, 370, 664, 454, 353, 722, 364, 322, 450, 111, 900, 311, 54, 780, 620, 549, 12, 253, 22, 752, 783, 397, 890, 604, 175, 395, 705, 248, 703, 543, 976, 92, 106, 282, 627, 39, 629, 626, 504, 375, 965, 880, 713, 276, 543, 458, 945, 848, 97, 100, 313, 345, 375, 927, 786, 224, 48, 812, 818, 226, 793, 183, 376, 459, 176, 35, 647, 757, 902, 901, 332, 625, 977, 98, 600, 594, 312, 857, 199, 387, 71, 682, 326, 324, 958, 247, 404, 390, 776, 388, 658, 52, 867, 424, 459, 795, 67, 419, 300, 294, 355, 908, 458, 461, 66, 612, 1020, 668, 246, 776, 244, 120, 531, 76, 794, 764, 789, 404, 808, 160, 460, 931, 157, 442, 65, 29, 869, 944, 1009, 468, 169, 772, 147, 714, 449, 751, 565, 420, 784, 939, 575, 551, 704, 648, 535, 72, 577, 936, 343, 191, 805, 727, 242, 830, 230, 406, 431, 870, 182, 995, 628, 252, 339, 298, 153, 352, 681, 946, 252, 113, 884, 623, 973, 198, 91, 586, 498, 808, 986, 838, 25, 389, 342, 636, 989, 33, 389, 833, 698, 839, 897, 583, 731, 858, 592, 853, 311, 855, 571, 534, 912, 213, 974, 879, 248, 308, 790, 603, 484, 158, 292, 153, 112, 496, 455, 482, 243, 272, 666, 118, 887, 555, 947, 53, 233, 559, 507, 8, 490, 495, 720, 325, 203, 713, 79, 520, 690, 642, 782, 530, 36, 470, 952, 97, 714, 214, 933, 427, 580, 11, 1002, 831, 417, 872, 579, 349, 21, 79, 210, 1001, 615, 877, 362, 169, 517, 418, 232, 133, 390, 219, 588, 566, 909, 105, 238, 803, 443, 173, 56, 109, 926, 1015, 730, 315, 928, 791, 108, 578, 301, 344, 118, 23, 999, 587, 701, 357, 953, 466, 438, 878, 469, 444, 204, 841, 421, 787, 295, 788, 10, 373, 828, 135, 171, 988, 692, 876, 816, 246, 799, 889, 604, 88, 370, 859, 654, 368, 454, 844, 69, 896, 846, 208, 801, 211, 634, 814, 707, 78, 921, 460, 946, 31, 371, 734, 166, 692, 530, 212, 319, 582, 939, 818, 852, 658, 163, 1, 183, 197, 344, 684, 963, 738, 854, 216, 467, 602, 803, 57, 688, 671, 250, 813, 425, 926, 406, 185, 522, 785, 31, 215, 152, 143, 566, 983, 568, 194, 76, 600, 73, 7, 995, 502, 30, 1003, 456, 916, 721, 816, 123, 86, 158, 355, 523, 807, 663, 743, 8, 131, 209, 234, 797, 75, 39, 994, 453, 385, 545, 711, 612, 666, 274, 895, 479, 479, 618, 121, 659, 377, 419, 56, 373, 265, 994, 312, 139, 957, 457, 697, 418, 1021, 497, 638, 971, 510, 188, 392, 462, 126, 41, 1017, 773, 673, 133, 303, 289, 425, 59, 299, 391, 998, 226, 705, 369, 134, 931, 567, 1, 828, 159, 429, 927, 771, 325, 403, 412, 515, 807, 676, 528, 341, 546, 13, 898, 125, 117, 851, 361, 321, 15, 471, 172, 220, 366, 240, 1021, 565, 413, 562, 753, 1020, 547, 259, 17, 132, 437, 991, 439, 249, 368, 794, 468, 413, 357], dtype=np.int32)

_COL_IDX = _FLAT_PATCH_IDX.reshape(_NPP, _N_PATHS).T.reshape(-1).copy()


def _lane_gather_body(x_hbm, idx_hbm, out_hbm, idx_v, in_v, out_v,
                      in_sems, out_sems):
    wid = lax.axis_index("s") * _NC + lax.axis_index("c")

    pltpu.sync_copy(idx_hbm, idx_v)

    def fetch(slot, k):
        return pltpu.async_copy(x_hbm.at[pl.ds(k * 8, 24), :],
                                in_v.at[slot], in_sems.at[slot])

    def flush(slot, k):
        b = k // _CB
        cb = k - b * _CB
        for n in range(_N_PATHS):
            ko = (b * _N_PATHS + n) * _CB + cb
            pltpu.async_copy(out_v.at[slot, n],
                             out_hbm.at[pl.ds(ko * 8, 24), :],
                             out_sems.at[slot, n])

    def compute(slot):
        for s2 in range(3):
            @plsc.parallel_loop(0, _N_PATHS * _G, unroll=8)
            def _(gi):
                colv = idx_v[pl.ds(gi * _L, _L)]
                n = lax.shift_right_logical(gi, 5)
                joff = lax.bitwise_and(gi, 31) * _L
                vals = []
                for c in range(8):
                    rowv = jnp.full((_L,), 8 * s2 + c, jnp.int32)
                    vals.append(plsc.load_gather(in_v.at[slot], [rowv, colv]))
                for c in range(8):
                    out_v[slot, n, 8 * s2 + c, pl.ds(joff, _L)] = vals[c]

    base = wid * _STRIPS_PER_W
    npairs = _STRIPS_PER_W // 3

    fetch(0, base + 0)
    fetch(1, base + 3)

    def pair_step(q, carry):
        slot = lax.rem(q, 2)
        k = base + 3 * q
        pltpu.make_async_copy(x_hbm.at[pl.ds(k * 8, 24), :],
                              in_v.at[slot], in_sems.at[slot]).wait()
        @pl.when(q >= 2)
        def _():
            for n in range(_N_PATHS):
                pltpu.make_async_copy(out_v.at[slot, n],
                                      out_hbm.at[pl.ds(0, 24), :],
                                      out_sems.at[slot, n]).wait()
        compute(slot)
        flush(slot, k)
        @pl.when(q + 2 < npairs)
        def _():
            fetch(slot, k + 6)
        return carry

    lax.fori_loop(0, npairs, pair_step, 0)

    for q in range(npairs - 2, npairs):
        slot = q % 2
        for n in range(_N_PATHS):
            pltpu.make_async_copy(out_v.at[slot, n],
                                  out_hbm.at[pl.ds(0, 24), :],
                                  out_sems.at[slot, n]).wait()


_lane_gather = pl.kernel(
    _lane_gather_body,
    out_type=jax.ShapeDtypeStruct((_BATCH * _N_PATHS * _C, _NPP), jnp.float32),
    mesh=plsc.VectorSubcoreMesh(core_axis_name="c", subcore_axis_name="s"),
    compiler_params=pltpu.CompilerParams(use_tc_tiling_on_sc=True,
                                         needs_layout_passes=False),
    scratch_types=[
        pltpu.VMEM((_N_PATHS * _NPP,), jnp.int32),
        pltpu.VMEM((2, 24, _NUM_PATCHES), jnp.float32),
        pltpu.VMEM((2, _N_PATHS, 24, _NPP), jnp.float32),
        pltpu.SemaphoreType.DMA((2,)),
        pltpu.SemaphoreType.DMA((2, _N_PATHS)),
    ],
)


def kernel(inputs):
    x_t = jnp.transpose(inputs, (0, 2, 1)).reshape(_BATCH * _C, _NUM_PATCHES)
    col_idx = jnp.asarray(_COL_IDX)
    out_t = _lane_gather(x_t, col_idx)
    out_t = out_t.reshape(_BATCH, _N_PATHS, _C, _NPP)
    return jnp.transpose(out_t, (0, 3, 1, 2))

# --- scband reference (transcript-rebuilt; emitter-appended) ---
"""Pipeline reference for scband-split-pathways-52046413693461 (READ-ONLY COPY).

The authoritative reference and input builder live on the scoring server;
editing this copy changes nothing except your own understanding.
"""

import jax, jax.numpy as jnp
import numpy as np

NUM_PATCHES = 1024
N_PATHS = 2
D_FRAC = 0.5
NPP = int(NUM_PATCHES * D_FRAC)  # 512 patches per pathway
BATCH = 64
C = 192


def setup_inputs(seed: int = 0) -> dict:
    key = jax.random.key(seed)
    x = jax.random.normal(jax.random.fold_in(key, 0), (BATCH, NUM_PATCHES, C), dtype=jnp.float32)
    return {"inputs": x}


def _make_indices():
    # Layer is in inference mode (training=False) so RNG is seeded deterministically.
    # intersection=True branch: n independent shuffles, take first NPP of each, stack on last axis.
    key = jax.random.key(0)
    cols = [jax.random.permutation(jax.random.fold_in(key, 100 + i), NUM_PATCHES)[:NPP] for i in range(N_PATHS)]
    return jnp.stack(cols, axis=-1)  # [NPP, N_PATHS] int32


def reference(inputs):
    indices = _make_indices()
    # tf.gather(inputs, indices, axis=-2, batch_dims=0) with inputs [B, P, C] and indices [NPP, n]
    # -> output [B, NPP, n, C]
    return jnp.take(inputs, indices, axis=1)

if __name__ == "__main__":
    import jax
    _d = setup_inputs()
    print(jax.jit(kernel)(*tuple(_d.values())))

</pallas_src>

<mosaic_0001>
#map = affine_map<(d0, d1) -> (0, 0)>
#map1 = affine_map<(d0, d1) -> (0)>
module attributes {stable_mosaic.version = 14 : i64} {
  func.func @_lane_gather_body(%arg0: i32, %arg1: i32, %arg2: memref<12288x1024xf32, #tpu.memory_space<hbm>>, %arg3: memref<1024xi32, #tpu.memory_space<hbm>>, %arg4: memref<24576x512xf32, #tpu.memory_space<hbm>>, %arg5: memref<1024xi32, #tpu.memory_space<vmem>>, %arg6: memref<2x24x1024xf32, #tpu.memory_space<vmem>>, %arg7: memref<2x2x24x512xf32, #tpu.memory_space<vmem>>, %arg8: memref<2x!tpu.dma_semaphore, #tpu.memory_space<semaphore_mem>>, %arg9: memref<2x2x!tpu.dma_semaphore, #tpu.memory_space<semaphore_mem>>) attributes {dimension_semantics = [#tpu.dimension_semantics<core_parallel>, #tpu.dimension_semantics<subcore_parallel>], iteration_bounds = array<i64: 2, 16>, scalar_prefetch = 0 : i64, scratch_operands = 5 : i64, tpu.core_type = #tpu.core_type<sc_vector_subcore>, window_params = [{transform_indices = #map}, {transform_indices = #map1}, {transform_indices = #map}]} {
    %mul3A = arith.constant 2 : i32
    %mul3A_0 = arith.muli %arg1, %mul3A : i32
    %add3A = arith.addi %mul3A_0, %arg0 : i32
    "tpu.region"() ({
      %run_scoped3A = tpu.sem_alloc : memref<!tpu.dma_semaphore, #tpu.memory_space<semaphore_mem>>
      tpu.enqueue_dma source(%arg3 : memref<1024xi32, #tpu.memory_space<hbm>>) target(%arg5 : memref<1024xi32, #tpu.memory_space<vmem>>) target_semaphore(%run_scoped3A : memref<!tpu.dma_semaphore, #tpu.memory_space<semaphore_mem>>)
      tpu.wait_dma2 semaphore(%run_scoped3A : memref<!tpu.dma_semaphore, #tpu.memory_space<semaphore_mem>>) src(%arg3 : memref<1024xi32, #tpu.memory_space<hbm>>) dst(%arg5 : memref<1024xi32, #tpu.memory_space<vmem>>)
      tpu.yield
    }) : () -> ()
    %mul3A_1 = arith.constant 48 : i32
    %mul3A_2 = arith.muli %add3A, %mul3A_1 : i32
    %add3A_3 = arith.constant 0 : i32
    %add3A_4 = arith.addi %mul3A_2, %add3A_3 : i32
    %mul3A_5 = arith.constant 8 : i32
    %mul3A_6 = arith.muli %add3A_4, %mul3A_5 : i32
    %dma_start3A = arith.constant 0 : i32
    %dma_start3A_7 = arith.constant 0 : i32
    %dma_start3A_8 = arith.constant 0 : i32
    %dma_start3A_9 = arith.constant 0 : i32
    %dma_start3A_10 = tpu.memref_slice %arg6[%dma_start3A, %dma_start3A_8, %dma_start3A_9] : memref<2x24x1024xf32, #tpu.memory_space<vmem>> -> memref<1x24x1024xf32, #tpu.memory_space<vmem>>
    %dma_start3A_11 = tpu.memref_squeeze %dma_start3A_10 : memref<1x24x1024xf32, #tpu.memory_space<vmem>> -> memref<24x1024xf32, #tpu.memory_space<vmem>>
    %dma_start3A_12 = arith.constant 0 : i32
    %dma_start3A_13 = tpu.memref_slice %arg2[%mul3A_6, %dma_start3A_12] : memref<12288x1024xf32, #tpu.memory_space<hbm>> -> memref<24x1024xf32, #tpu.memory_space<hbm>>
    %dma_start3A_14 = tpu.memref_slice %arg8[%dma_start3A_7] : memref<2x!tpu.dma_semaphore, #tpu.memory_space<semaphore_mem>> -> memref<1x!tpu.dma_semaphore, #tpu.memory_space<semaphore_mem>>
    %dma_start3A_15 = tpu.memref_squeeze %dma_start3A_14 : memref<1x!tpu.dma_semaphore, #tpu.memory_space<semaphore_mem>> -> memref<!tpu.dma_semaphore, #tpu.memory_space<semaphore_mem>>
    %dma_start3A_16 = arith.constant 0 : i32
    %dma_start3A_17 = arith.constant 0 : i32
    %dma_start3A_18 = tpu.memref_slice %arg6[%dma_start3A, %dma_start3A_16, %dma_start3A_17] : memref<2x24x1024xf32, #tpu.memory_space<vmem>> -> memref<1x24x1024xf32, #tpu.memory_space<vmem>>
    %dma_start3A_19 = tpu.memref_squeeze %dma_start3A_18 : memref<1x24x1024xf32, #tpu.memory_space<vmem>> -> memref<24x1024xf32, #tpu.memory_space<vmem>>
    %dma_start3A_20 = arith.constant 0 : i32
    %dma_start3A_21 = tpu.memref_slice %arg2[%mul3A_6, %dma_start3A_20] : memref<12288x1024xf32, #tpu.memory_space<hbm>> -> memref<24x1024xf32, #tpu.memory_space<hbm>>
    tpu.enqueue_dma source(%dma_start3A_21 : memref<24x1024xf32, #tpu.memory_space<hbm>>) target(%dma_start3A_19 : memref<24x1024xf32, #tpu.memory_space<vmem>>) target_semaphore(%dma_start3A_15 : memref<!tpu.dma_semaphore, #tpu.memory_space<semaphore_mem>>)
    %add3A_22 = arith.constant 3 : i32
    %add3A_23 = arith.addi %mul3A_2, %add3A_22 : i32
    %mul3A_24 = arith.constant 8 : i32
    %mul3A_25 = arith.muli %add3A_23, %mul3A_24 : i32
    %dma_start3A_26 = arith.constant 1 : i32
    %dma_start3A_27 = arith.constant 1 : i32
    %dma_start3A_28 = arith.constant 0 : i32
    %dma_start3A_29 = arith.constant 0 : i32
    %dma_start3A_30 = tpu.memref_slice %arg6[%dma_start3A_26, %dma_start3A_28, %dma_start3A_29] : memref<2x24x1024xf32, #tpu.memory_space<vmem>> -> memref<1x24x1024xf32, #tpu.memory_space<vmem>>
    %dma_start3A_31 = tpu.memref_squeeze %dma_start3A_30 : memref<1x24x1024xf32, #tpu.memory_space<vmem>> -> memref<24x1024xf32, #tpu.memory_space<vmem>>
    %dma_start3A_32 = arith.constant 0 : i32
    %dma_start3A_33 = tpu.memref_slice %arg2[%mul3A_25, %dma_start3A_32] : memref<12288x1024xf32, #tpu.memory_space<hbm>> -> memref<24x1024xf32, #tpu.memory_space<hbm>>
    %dma_start3A_34 = tpu.memref_slice %arg8[%dma_start3A_27] : memref<2x!tpu.dma_semaphore, #tpu.memory_space<semaphore_mem>> -> memref<1x!tpu.dma_semaphore, #tpu.memory_space<semaphore_mem>>
    %dma_start3A_35 = tpu.memref_squeeze %dma_start3A_34 : memref<1x!tpu.dma_semaphore, #tpu.memory_space<semaphore_mem>> -> memref<!tpu.dma_semaphore, #tpu.memory_space<semaphore_mem>>
    %dma_start3A_36 = arith.constant 0 : i32
    %dma_start3A_37 = arith.constant 0 : i32
    %dma_start3A_38 = tpu.memref_slice %arg6[%dma_start3A_26, %dma_start3A_36, %dma_start3A_37] : memref<2x24x1024xf32, #tpu.memory_space<vmem>> -> memref<1x24x1024xf32, #tpu.memory_space<vmem>>
    %dma_start3A_39 = tpu.memref_squeeze %dma_start3A_38 : memref<1x24x1024xf32, #tpu.memory_space<vmem>> -> memref<24x1024xf32, #tpu.memory_space<vmem>>
    %dma_start3A_40 = arith.constant 0 : i32
    %dma_start3A_41 = tpu.memref_slice %arg2[%mul3A_25, %dma_start3A_40] : memref<12288x1024xf32, #tpu.memory_space<hbm>> -> memref<24x1024xf32, #tpu.memory_space<hbm>>
    tpu.enqueue_dma source(%dma_start3A_41 : memref<24x1024xf32, #tpu.memory_space<hbm>>) target(%dma_start3A_39 : memref<24x1024xf32, #tpu.memory_space<vmem>>) target_semaphore(%dma_start3A_35 : memref<!tpu.dma_semaphore, #tpu.memory_space<semaphore_mem>>)
    %scan3A = arith.constant 0 : i32
    %scan3A_42 = arith.constant 0 : i32
    %scan3A_43 = arith.constant 16 : i32
    %scan3A_44 = arith.addi %scan3A_42, %scan3A_43 : i32
    %scan3A_45 = arith.constant 1 : i32
    scf.for %scan3A_126 = %scan3A_42 to %scan3A_44 step %scan3A_45  : i32 {
      %rem3A = arith.constant 2 : i32
      %rem3A_127 = arith.remsi %scan3A_126, %rem3A : i32
      %mul3A_128 = arith.constant 3 : i32
      %mul3A_129 = arith.muli %mul3A_128, %scan3A_126 : i32
      %add3A_130 = arith.addi %mul3A_2, %mul3A_129 : i32
      %mul3A_131 = arith.constant 8 : i32
      %mul3A_132 = arith.muli %add3A_130, %mul3A_131 : i32
      %dma_wait3A_133 = arith.constant 0 : i32
      %dma_wait3A_134 = arith.constant 0 : i32
      %dma_wait3A_135 = tpu.memref_slice %arg6[%rem3A_127, %dma_wait3A_133, %dma_wait3A_134] : memref<2x24x1024xf32, #tpu.memory_space<vmem>> -> memref<1x24x1024xf32, #tpu.memory_space<vmem>>
      %dma_wait3A_136 = tpu.memref_squeeze %dma_wait3A_135 : memref<1x24x1024xf32, #tpu.memory_space<vmem>> -> memref<24x1024xf32, #tpu.memory_space<vmem>>
      %dma_wait3A_137 = arith.constant 0 : i32
      %dma_wait3A_138 = tpu.memref_slice %arg2[%mul3A_132, %dma_wait3A_137] : memref<12288x1024xf32, #tpu.memory_space<hbm>> -> memref<24x1024xf32, #tpu.memory_space<hbm>>
      %dma_wait3A_139 = tpu.memref_slice %arg8[%rem3A_127] : memref<2x!tpu.dma_semaphore, #tpu.memory_space<semaphore_mem>> -> memref<1x!tpu.dma_semaphore, #tpu.memory_space<semaphore_mem>>
      %dma_wait3A_140 = tpu.memref_squeeze %dma_wait3A_139 : memref<1x!tpu.dma_semaphore, #tpu.memory_space<semaphore_mem>> -> memref<!tpu.dma_semaphore, #tpu.memory_space<semaphore_mem>>
      %dma_wait3A_141 = arith.constant 0 : i32
      %dma_wait3A_142 = arith.constant 0 : i32
      %dma_wait3A_143 = tpu.memref_slice %arg6[%rem3A_127, %dma_wait3A_141, %dma_wait3A_142] : memref<2x24x1024xf32, #tpu.memory_space<vmem>> -> memref<1x24x1024xf32, #tpu.memory_space<vmem>>
      %dma_wait3A_144 = tpu.memref_squeeze %dma_wait3A_143 : memref<1x24x1024xf32, #tpu.memory_space<vmem>> -> memref<24x1024xf32, #tpu.memory_space<vmem>>
      %dma_wait3A_145 = arith.constant 0 : i32
      %dma_wait3A_146 = tpu.memref_slice %arg2[%mul3A_132, %dma_wait3A_145] : memref<12288x1024xf32, #tpu.memory_space<hbm>> -> memref<24x1024xf32, #tpu.memory_space<hbm>>
      tpu.wait_dma2 semaphore(%dma_wait3A_140 : memref<!tpu.dma_semaphore, #tpu.memory_space<semaphore_mem>>) src(%dma_wait3A_146 : memref<24x1024xf32, #tpu.memory_space<hbm>>) dst(%dma_wait3A_144 : memref<24x1024xf32, #tpu.memory_space<vmem>>)
      %ge3A = arith.constant 2 : i32
      %ge3A_147 = arith.cmpi sge, %scan3A_126, %ge3A : i32
      %convert_element_type3A = arith.extui %ge3A_147 : i1 to i32
      %cond3A = arith.constant 0 : i32
      %cond3A_148 = arith.cmpi ne, %convert_element_type3A, %cond3A : i32
      scf.if %cond3A_148 {
        %dma_wait3A_233 = arith.constant 0 : i32
        %dma_wait3A_234 = arith.constant 0 : i32
        %dma_wait3A_235 = arith.constant 0 : i32
        %dma_wait3A_236 = arith.constant 0 : i32
        %dma_wait3A_237 = tpu.memref_slice %arg7[%rem3A_127, %dma_wait3A_233, %dma_wait3A_235, %dma_wait3A_236] : memref<2x2x24x512xf32, #tpu.memory_space<vmem>> -> memref<1x1x24x512xf32, #tpu.memory_space<vmem>>
        %dma_wait3A_238 = tpu.memref_squeeze %dma_wait3A_237 : memref<1x1x24x512xf32, #tpu.memory_space<vmem>> -> memref<24x512xf32, #tpu.memory_space<vmem>>
        %dma_wait3A_239 = arith.constant 0 : i32
        %dma_wait3A_240 = arith.constant 0 : i32
        %dma_wait3A_241 = tpu.memref_slice %arg4[%dma_wait3A_239, %dma_wait3A_240] : memref<24576x512xf32, #tpu.memory_space<hbm>> -> memref<24x512xf32, #tpu.memory_space<hbm>>
        %dma_wait3A_242 = tpu.memref_slice %arg9[%rem3A_127, %dma_wait3A_234] : memref<2x2x!tpu.dma_semaphore, #tpu.memory_space<semaphore_mem>> -> memref<1x1x!tpu.dma_semaphore, #tpu.memory_space<semaphore_mem>>
        %dma_wait3A_243 = tpu.memref_squeeze %dma_wait3A_242 : memref<1x1x!tpu.dma_semaphore, #tpu.memory_space<semaphore_mem>> -> memref<!tpu.dma_semaphore, #tpu.memory_space<semaphore_mem>>
        %dma_wait3A_244 = arith.constant 0 : i32
        %dma_wait3A_245 = arith.constant 0 : i32
        %dma_wait3A_246 = tpu.memref_slice %arg4[%dma_wait3A_244, %dma_wait3A_245] : memref<24576x512xf32, #tpu.memory_space<hbm>> -> memref<24x512xf32, #tpu.memory_space<hbm>>
        %dma_wait3A_247 = arith.constant 0 : i32
        %dma_wait3A_248 = arith.constant 0 : i32
        %dma_wait3A_249 = tpu.memref_slice %arg7[%rem3A_127, %dma_wait3A_233, %dma_wait3A_247, %dma_wait3A_248] : memref<2x2x24x512xf32, #tpu.memory_space<vmem>> -> memref<1x1x24x512xf32, #tpu.memory_space<vmem>>
        %dma_wait3A_250 = tpu.memref_squeeze %dma_wait3A_249 : memref<1x1x24x512xf32, #tpu.memory_space<vmem>> -> memref<24x512xf32, #tpu.memory_space<vmem>>
        tpu.wait_dma2 semaphore(%dma_wait3A_243 : memref<!tpu.dma_semaphore, #tpu.memory_space<semaphore_mem>>) src(%dma_wait3A_250 : memref<24x512xf32, #tpu.memory_space<vmem>>) dst(%dma_wait3A_246 : memref<24x512xf32, #tpu.memory_space<hbm>>)
        %dma_wait3A_251 = arith.constant 1 : i32
        %dma_wait3A_252 = arith.constant 1 : i32
        %dma_wait3A_253 = arith.constant 0 : i32
        %dma_wait3A_254 = arith.constant 0 : i32
        %dma_wait3A_255 = tpu.memref_slice %arg7[%rem3A_127, %dma_wait3A_251, %dma_wait3A_253, %dma_wait3A_254] : memref<2x2x24x512xf32, #tpu.memory_space<vmem>> -> memref<1x1x24x512xf32, #tpu.memory_space<vmem>>
        %dma_wait3A_256 = tpu.memref_squeeze %dma_wait3A_255 : memref<1x1x24x512xf32, #tpu.memory_space<vmem>> -> memref<24x512xf32, #tpu.memory_space<vmem>>
        %dma_wait3A_257 = arith.constant 0 : i32
        %dma_wait3A_258 = arith.constant 0 : i32
        %dma_wait3A_259 = tpu.memref_slice %arg4[%dma_wait3A_257, %dma_wait3A_258] : memref<24576x512xf32, #tpu.memory_space<hbm>> -> memref<24x512xf32, #tpu.memory_space<hbm>>
        %dma_wait3A_260 = tpu.memref_slice %arg9[%rem3A_127, %dma_wait3A_252] : memref<2x2x!tpu.dma_semaphore, #tpu.memory_space<semaphore_mem>> -> memref<1x1x!tpu.dma_semaphore, #tpu.memory_space<semaphore_mem>>
        %dma_wait3A_261 = tpu.memref_squeeze %dma_wait3A_260 : memref<1x1x!tpu.dma_semaphore, #tpu.memory_space<semaphore_mem>> -> memref<!tpu.dma_semaphore, #tpu.memory_space<semaphore_mem>>
        %dma_wait3A_262 = arith.constant 0 : i32
        %dma_wait3A_263 = arith.constant 0 : i32
        %dma_wait3A_264 = tpu.memref_slice %arg4[%dma_wait3A_262, %dma_wait3A_263] : memref<24576x512xf32, #tpu.memory_space<hbm>> -> memref<24x512xf32, #tpu.memory_space<hbm>>
        %dma_wait3A_265 = arith.constant 0 : i32
        %dma_wait3A_266 = arith.constant 0 : i32
        %dma_wait3A_267 = tpu.memref_slice %arg7[%rem3A_127, %dma_wait3A_251, %dma_wait3A_265, %dma_wait3A_266] : memref<2x2x24x512xf32, #tpu.memory_space<vmem>> -> memref<1x1x24x512xf32, #tpu.memory_space<vmem>>
        %dma_wait3A_268 = tpu.memref_squeeze %dma_wait3A_267 : memref<1x1x24x512xf32, #tpu.memory_space<vmem>> -> memref<24x512xf32, #tpu.memory_space<vmem>>
        tpu.wait_dma2 semaphore(%dma_wait3A_261 : memref<!tpu.dma_semaphore, #tpu.memory_space<semaphore_mem>>) src(%dma_wait3A_268 : memref<24x512xf32, #tpu.memory_space<vmem>>) dst(%dma_wait3A_264 : memref<24x512xf32, #tpu.memory_space<hbm>>)
      } else {
      }
      %parallel_loop3A = arith.constant 0 : i32
      %parallel_loop3A_149 = arith.constant 64 : i32
      %parallel_loop3A_150 = arith.constant 1 : i32
      scf.for %parallel_loop3A_233 = %parallel_loop3A to %parallel_loop3A_149 step %parallel_loop3A_150  : i32 {
        %parallel_loop3A_234 = arith.constant 16 : i32
        %parallel_loop3A_235 = arith.muli %parallel_loop3A_233, %parallel_loop3A_234 : i32
        %parallel_loop3A_236 = arith.index_cast %parallel_loop3A_235 : i32 to index
        %parallel_loop3A_237 = tpu.vector_load %arg5[%parallel_loop3A_236] {strides = array<i32>} : memref<1024xi32, #tpu.memory_space<vmem>>, vector<16xi32>,
        %parallel_loop3A_238 = arith.constant 5 : i32
        %parallel_loop3A_239 = arith.shrui %parallel_loop3A_233, %parallel_loop3A_238 : i32
        %parallel_loop3A_240 = arith.constant 31 : i32
        %parallel_loop3A_241 = arith.andi %parallel_loop3A_233, %parallel_loop3A_240 : i32
        %parallel_loop3A_242 = arith.constant 16 : i32
        %parallel_loop3A_243 = arith.muli %parallel_loop3A_241, %parallel_loop3A_242 : i32
        %parallel_loop3A_244 = arith.constant 0 : i32
        %parallel_loop3A_245 = vector.broadcast %parallel_loop3A_244 : i32 to vector<16xi32>
        %parallel_loop3A_246 = arith.constant 0 : i32
        %parallel_loop3A_247 = arith.constant 0 : i32
        %parallel_loop3A_248 = tpu.memref_slice %arg6[%rem3A_127, %parallel_loop3A_246, %parallel_loop3A_247] : memref<2x24x1024xf32, #tpu.memory_space<vmem>> -> memref<1x24x1024xf32, #tpu.memory_space<vmem>>
        %parallel_loop3A_249 = tpu.memref_squeeze %parallel_loop3A_248 : memref<1x24x1024xf32, #tpu.memory_space<vmem>> -> memref<24x1024xf32, #tpu.memory_space<vmem>>
        %parallel_loop3A_250 = tpu.vector_load_idx %parallel_loop3A_249[%parallel_loop3A_245, %parallel_loop3A_237] : memref<24x1024xf32, #tpu.memory_space<vmem>>[vector<16xi32>, vector<16xi32>], vector<16xf32>,
        %parallel_loop3A_251 = arith.constant 1 : i32
        %parallel_loop3A_252 = vector.broadcast %parallel_loop3A_251 : i32 to vector<16xi32>
        %parallel_loop3A_253 = arith.constant 0 : i32
        %parallel_loop3A_254 = arith.constant 0 : i32
        %parallel_loop3A_255 = tpu.memref_slice %arg6[%rem3A_127, %parallel_loop3A_253, %parallel_loop3A_254] : memref<2x24x1024xf32, #tpu.memory_space<vmem>> -> memref<1x24x1024xf32, #tpu.memory_space<vmem>>
        %parallel_loop3A_256 = tpu.memref_squeeze %parallel_loop3A_255 : memref<1x24x1024xf32, #tpu.memory_space<vmem>> -> memref<24x1024xf32, #tpu.memory_space<vmem>>
        %parallel_loop3A_257 = tpu.vector_load_idx %parallel_loop3A_256[%parallel_loop3A_252, %parallel_loop3A_237] : memref<24x1024xf32, #tpu.memory_space<vmem>>[vector<16xi32>, vector<16xi32>], vector<16xf32>,
        %parallel_loop3A_258 = arith.constant 2 : i32
        %parallel_loop3A_259 = vector.broadcast %parallel_loop3A_258 : i32 to vector<16xi32>
        %parallel_loop3A_260 = arith.constant 0 : i32
        %parallel_loop3A_261 = arith.constant 0 : i32
        %parallel_loop3A_262 = tpu.memref_slice %arg6[%rem3A_127, %parallel_loop3A_260, %parallel_loop3A_261] : memref<2x24x1024xf32, #tpu.memory_space<vmem>> -> memref<1x24x1024xf32, #tpu.memory_space<vmem>>
        %parallel_loop3A_263 = tpu.memref_squeeze %parallel_loop3A_262 : memref<1x24x1024xf32, #tpu.memory_space<vmem>> -> memref<24x1024xf32, #tpu.memory_space<vmem>>
        %parallel_loop3A_264 = tpu.vector_load_idx %parallel_loop3A_263[%parallel_loop3A_259, %parallel_loop3A_237] : memref<24x1024xf32, #tpu.memory_space<vmem>>[vector<16xi32>, vector<16xi32>], vector<16xf32>,
        %parallel_loop3A_265 = arith.constant 3 : i32
        %parallel_loop3A_266 = vector.broadcast %parallel_loop3A_265 : i32 to vector<16xi32>
        %parallel_loop3A_267 = arith.constant 0 : i32
        %parallel_loop3A_268 = arith.constant 0 : i32
        %parallel_loop3A_269 = tpu.memref_slice %arg6[%rem3A_127, %parallel_loop3A_267, %parallel_loop3A_268] : memref<2x24x1024xf32, #tpu.memory_space<vmem>> -> memref<1x24x1024xf32, #tpu.memory_space<vmem>>
        %parallel_loop3A_270 = tpu.memref_squeeze %parallel_loop3A_269 : memref<1x24x1024xf32, #tpu.memory_space<vmem>> -> memref<24x1024xf32, #tpu.memory_space<vmem>>
        %parallel_loop3A_271 = tpu.vector_load_idx %parallel_loop3A_270[%parallel_loop3A_266, %parallel_loop3A_237] : memref<24x1024xf32, #tpu.memory_space<vmem>>[vector<16xi32>, vector<16xi32>], vector<16xf32>,
        %parallel_loop3A_272 = arith.constant 4 : i32
        %parallel_loop3A_273 = vector.broadcast %parallel_loop3A_272 : i32 to vector<16xi32>
        %parallel_loop3A_274 = arith.constant 0 : i32
        %parallel_loop3A_275 = arith.constant 0 : i32
        %parallel_loop3A_276 = tpu.memref_slice %arg6[%rem3A_127, %parallel_loop3A_274, %parallel_loop3A_275] : memref<2x24x1024xf32, #tpu.memory_space<vmem>> -> memref<1x24x1024xf32, #tpu.memory_space<vmem>>
        %parallel_loop3A_277 = tpu.memref_squeeze %parallel_loop3A_276 : memref<1x24x1024xf32, #tpu.memory_space<vmem>> -> memref<24x1024xf32, #tpu.memory_space<vmem>>
        %parallel_loop3A_278 = tpu.vector_load_idx %parallel_loop3A_277[%parallel_loop3A_273, %parallel_loop3A_237] : memref<24x1024xf32, #tpu.memory_space<vmem>>[vector<16xi32>, vector<16xi32>], vector<16xf32>,
        %parallel_loop3A_279 = arith.constant 5 : i32
        %parallel_loop3A_280 = vector.broadcast %parallel_loop3A_279 : i32 to vector<16xi32>
        %parallel_loop3A_281 = arith.constant 0 : i32
        %parallel_loop3A_282 = arith.constant 0 : i32
        %parallel_loop3A_283 = tpu.memref_slice %arg6[%rem3A_127, %parallel_loop3A_281, %parallel_loop3A_282] : memref<2x24x1024xf32, #tpu.memory_space<vmem>> -> memref<1x24x1024xf32, #tpu.memory_space<vmem>>
        %parallel_loop3A_284 = tpu.memref_squeeze %parallel_loop3A_283 : memref<1x24x1024xf32, #tpu.memory_space<vmem>> -> memref<24x1024xf32, #tpu.memory_space<vmem>>
        %parallel_loop3A_285 = tpu.vector_load_idx %parallel_loop3A_284[%parallel_loop3A_280, %parallel_loop3A_237] : memref<24x1024xf32, #tpu.memory_space<vmem>>[vector<16xi32>, vector<16xi32>], vector<16xf32>,
        %parallel_loop3A_286 = arith.constant 6 : i32
        %parallel_loop3A_287 = vector.broadcast %parallel_loop3A_286 : i32 to vector<16xi32>
        %parallel_loop3A_288 = arith.constant 0 : i32
        %parallel_loop3A_289 = arith.constant 0 : i32
        %parallel_loop3A_290 = tpu.memref_slice %arg6[%rem3A_127, %parallel_loop3A_288, %parallel_loop3A_289] : memref<2x24x1024xf32, #tpu.memory_space<vmem>> -> memref<1x24x1024xf32, #tpu.memory_space<vmem>>
        %parallel_loop3A_291 = tpu.memref_squeeze %parallel_loop3A_290 : memref<1x24x1024xf32, #tpu.memory_space<vmem>> -> memref<24x1024xf32, #tpu.memory_space<vmem>>
        %parallel_loop3A_292 = tpu.vector_load_idx %parallel_loop3A_291[%parallel_loop3A_287, %parallel_loop3A_237] : memref<24x1024xf32, #tpu.memory_space<vmem>>[vector<16xi32>, vector<16xi32>], vector<16xf32>,
        %parallel_loop3A_293 = arith.constant 7 : i32
        %parallel_loop3A_294 = vector.broadcast %parallel_loop3A_293 : i32 to vector<16xi32>
        %parallel_loop3A_295 = arith.constant 0 : i32
        %parallel_loop3A_296 = arith.constant 0 : i32
        %parallel_loop3A_297 = tpu.memref_slice %arg6[%rem3A_127, %parallel_loop3A_295, %parallel_loop3A_296] : memref<2x24x1024xf32, #tpu.memory_space<vmem>> -> memref<1x24x1024xf32, #tpu.memory_space<vmem>>
        %parallel_loop3A_298 = tpu.memref_squeeze %parallel_loop3A_297 : memref<1x24x1024xf32, #tpu.memory_space<vmem>> -> memref<24x1024xf32, #tpu.memory_space<vmem>>
        %parallel_loop3A_299 = tpu.vector_load_idx %parallel_loop3A_298[%parallel_loop3A_294, %parallel_loop3A_237] : memref<24x1024xf32, #tpu.memory_space<vmem>>[vector<16xi32>, vector<16xi32>], vector<16xf32>,
        %parallel_loop3A_300 = arith.constant 0 : i32
        %parallel_loop3A_301 = arith.index_cast %rem3A_127 : i32 to index
        %parallel_loop3A_302 = arith.index_cast %parallel_loop3A_239 : i32 to index
        %parallel_loop3A_303 = arith.index_cast %parallel_loop3A_300 : i32 to index
        %parallel_loop3A_304 = arith.index_cast %parallel_loop3A_243 : i32 to index
        %parallel_loop3A_305 = tpu.vector_load %arg7[%parallel_loop3A_301, %parallel_loop3A_302, %parallel_loop3A_303, %parallel_loop3A_304] {strides = array<i32>} : memref<2x2x24x512xf32, #tpu.memory_space<vmem>>, vector<16xf32>,
        tpu.vector_store %arg7[%parallel_loop3A_301, %parallel_loop3A_302, %parallel_loop3A_303, %parallel_loop3A_304], %parallel_loop3A_250 {strides = array<i32>} : memref<2x2x24x512xf32, #tpu.memory_space<vmem>>, vector<16xf32>,
        %parallel_loop3A_306 = arith.constant 1 : i32
        %parallel_loop3A_307 = arith.index_cast %rem3A_127 : i32 to index
        %parallel_loop3A_308 = arith.index_cast %parallel_loop3A_239 : i32 to index
        %parallel_loop3A_309 = arith.index_cast %parallel_loop3A_306 : i32 to index
        %parallel_loop3A_310 = arith.index_cast %parallel_loop3A_243 : i32 to index
        %parallel_loop3A_311 = tpu.vector_load %arg7[%parallel_loop3A_307, %parallel_loop3A_308, %parallel_loop3A_309, %parallel_loop3A_310] {strides = array<i32>} : memref<2x2x24x512xf32, #tpu.memory_space<vmem>>, vector<16xf32>,
        tpu.vector_store %arg7[%parallel_loop3A_307, %parallel_loop3A_308, %parallel_loop3A_309, %parallel_loop3A_310], %parallel_loop3A_257 {strides = array<i32>} : memref<2x2x24x512xf32, #tpu.memory_space<vmem>>, vector<16xf32>,
        %parallel_loop3A_312 = arith.constant 2 : i32
        %parallel_loop3A_313 = arith.index_cast %rem3A_127 : i32 to index
        %parallel_loop3A_314 = arith.index_cast %parallel_loop3A_239 : i32 to index
        %parallel_loop3A_315 = arith.index_cast %parallel_loop3A_312 : i32 to index
        %parallel_loop3A_316 = arith.index_cast %parallel_loop3A_243 : i32 to index
        %parallel_loop3A_317 = tpu.vector_load %arg7[%parallel_loop3A_313, %parallel_loop3A_314, %parallel_loop3A_315, %parallel_loop3A_316] {strides = array<i32>} : memref<2x2x24x512xf32, #tpu.memory_space<vmem>>, vector<16xf32>,
        tpu.vector_store %arg7[%parallel_loop3A_313, %parallel_loop3A_314, %parallel_loop3A_315, %parallel_loop3A_316], %parallel_loop3A_264 {strides = array<i32>} : memref<2x2x24x512xf32, #tpu.memory_space<vmem>>, vector<16xf32>,
        %parallel_loop3A_318 = arith.constant 3 : i32
        %parallel_loop3A_319 = arith.index_cast %rem3A_127 : i32 to index
        %parallel_loop3A_320 = arith.index_cast %parallel_loop3A_239 : i32 to index
        %parallel_loop3A_321 = arith.index_cast %parallel_loop3A_318 : i32 to index
        %parallel_loop3A_322 = arith.index_cast %parallel_loop3A_243 : i32 to index
        %parallel_loop3A_323 = tpu.vector_load %arg7[%parallel_loop3A_319, %parallel_loop3A_320, %parallel_loop3A_321, %parallel_loop3A_322] {strides = array<i32>} : memref<2x2x24x512xf32, #tpu.memory_space<vmem>>, vector<16xf32>,
        tpu.vector_store %arg7[%parallel_loop3A_319, %parallel_loop3A_320, %parallel_loop3A_321, %parallel_loop3A_322], %parallel_loop3A_271 {strides = array<i32>} : memref<2x2x24x512xf32, #tpu.memory_space<vmem>>, vector<16xf32>,
        %parallel_loop3A_324 = arith.constant 4 : i32
        %parallel_loop3A_325 = arith.index_cast %rem3A_127 : i32 to index
        %parallel_loop3A_326 = arith.index_cast %parallel_loop3A_239 : i32 to index
        %parallel_loop3A_327 = arith.index_cast %parallel_loop3A_324 : i32 to index
        %parallel_loop3A_328 = arith.index_cast %parallel_loop3A_243 : i32 to index
        %parallel_loop3A_329 = tpu.vector_load %arg7[%parallel_loop3A_325, %parallel_loop3A_326, %parallel_loop3A_327, %parallel_loop3A_328] {strides = array<i32>} : memref<2x2x24x512xf32, #tpu.memory_space<vmem>>, vector<16xf32>,
        tpu.vector_store %arg7[%parallel_loop3A_325, %parallel_loop3A_326, %parallel_loop3A_327, %parallel_loop3A_328], %parallel_loop3A_278 {strides = array<i32>} : memref<2x2x24x512xf32, #tpu.memory_space<vmem>>, vector<16xf32>,
        %parallel_loop3A_330 = arith.constant 5 : i32
        %parallel_loop3A_331 = arith.index_cast %rem3A_127 : i32 to index
        %parallel_loop3A_332 = arith.index_cast %parallel_loop3A_239 : i32 to index
        %parallel_loop3A_333 = arith.index_cast %parallel_loop3A_330 : i32 to index
        %parallel_loop3A_334 = arith.index_cast %parallel_loop3A_243 : i32 to index
        %parallel_loop3A_335 = tpu.vector_load %arg7[%parallel_loop3A_331, %parallel_loop3A_332, %parallel_loop3A_333, %parallel_loop3A_334] {strides = array<i32>} : memref<2x2x24x512xf32, #tpu.memory_space<vmem>>, vector<16xf32>,
        tpu.vector_store %arg7[%parallel_loop3A_331, %parallel_loop3A_332, %parallel_loop3A_333, %parallel_loop3A_334], %parallel_loop3A_285 {strides = array<i32>} : memref<2x2x24x512xf32, #tpu.memory_space<vmem>>, vector<16xf32>,
        %parallel_loop3A_336 = arith.constant 6 : i32
        %parallel_loop3A_337 = arith.index_cast %rem3A_127 : i32 to index
        %parallel_loop3A_338 = arith.index_cast %parallel_loop3A_239 : i32 to index
        %parallel_loop3A_339 = arith.index_cast %parallel_loop3A_336 : i32 to index
        %parallel_loop3A_340 = arith.index_cast %parallel_loop3A_243 : i32 to index
        %parallel_loop3A_341 = tpu.vector_load %arg7[%parallel_loop3A_337, %parallel_loop3A_338, %parallel_loop3A_339, %parallel_loop3A_340] {strides = array<i32>} : memref<2x2x24x512xf32, #tpu.memory_space<vmem>>, vector<16xf32>,
        tpu.vector_store %arg7[%parallel_loop3A_337, %parallel_loop3A_338, %parallel_loop3A_339, %parallel_loop3A_340], %parallel_loop3A_292 {strides = array<i32>} : memref<2x2x24x512xf32, #tpu.memory_space<vmem>>, vector<16xf32>,
        %parallel_loop3A_342 = arith.constant 7 : i32
        %parallel_loop3A_343 = arith.index_cast %rem3A_127 : i32 to index
        %parallel_loop3A_344 = arith.index_cast %parallel_loop3A_239 : i32 to index
        %parallel_loop3A_345 = arith.index_cast %parallel_loop3A_342 : i32 to index
        %parallel_loop3A_346 = arith.index_cast %parallel_loop3A_243 : i32 to index
        %parallel_loop3A_347 = tpu.vector_load %arg7[%parallel_loop3A_343, %parallel_loop3A_344, %parallel_loop3A_345, %parallel_loop3A_346] {strides = array<i32>} : memref<2x2x24x512xf32, #tpu.memory_space<vmem>>, vector<16xf32>,
        tpu.vector_store %arg7[%parallel_loop3A_343, %parallel_loop3A_344, %parallel_loop3A_345, %parallel_loop3A_346], %parallel_loop3A_299 {strides = array<i32>} : memref<2x2x24x512xf32, #tpu.memory_space<vmem>>, vector<16xf32>,
      } {sc.loop_unroll_factor = 8 : i64, sc.parallel_access}
      %parallel_loop3A_151 = arith.constant 0 : i32
      %parallel_loop3A_152 = arith.constant 64 : i32
      %parallel_loop3A_153 = arith.constant 1 : i32
      scf.for %parallel_loop3A_233 = %parallel_loop3A_151 to %parallel_loop3A_152 step %parallel_loop3A_153  : i32 {
        %parallel_loop3A_234 = arith.constant 16 : i32
        %parallel_loop3A_235 = arith.muli %parallel_loop3A_233, %parallel_loop3A_234 : i32
        %parallel_loop3A_236 = arith.index_cast %parallel_loop3A_235 : i32 to index
        %parallel_loop3A_237 = tpu.vector_load %arg5[%parallel_loop3A_236] {strides = array<i32>} : memref<1024xi32, #tpu.memory_space<vmem>>, vector<16xi32>,
        %parallel_loop3A_238 = arith.constant 5 : i32
        %parallel_loop3A_239 = arith.shrui %parallel_loop3A_233, %parallel_loop3A_238 : i32
        %parallel_loop3A_240 = arith.constant 31 : i32
        %parallel_loop3A_241 = arith.andi %parallel_loop3A_233, %parallel_loop3A_240 : i32
        %parallel_loop3A_242 = arith.constant 16 : i32
        %parallel_loop3A_243 = arith.muli %parallel_loop3A_241, %parallel_loop3A_242 : i32
        %parallel_loop3A_244 = arith.constant 8 : i32
        %parallel_loop3A_245 = vector.broadcast %parallel_loop3A_244 : i32 to vector<16xi32>
        %parallel_loop3A_246 = arith.constant 0 : i32
        %parallel_loop3A_247 = arith.constant 0 : i32
        %parallel_loop3A_248 = tpu.memref_slice %arg6[%rem3A_127, %parallel_loop3A_246, %parallel_loop3A_247] : memref<2x24x1024xf32, #tpu.memory_space<vmem>> -> memref<1x24x1024xf32, #tpu.memory_space<vmem>>
        %parallel_loop3A_249 = tpu.memref_squeeze %parallel_loop3A_248 : memref<1x24x1024xf32, #tpu.memory_space<vmem>> -> memref<24x1024xf32, #tpu.memory_space<vmem>>
        %parallel_loop3A_250 = tpu.vector_load_idx %parallel_loop3A_249[%parallel_loop3A_245, %parallel_loop3A_237] : memref<24x1024xf32, #tpu.memory_space<vmem>>[vector<16xi32>, vector<16xi32>], vector<16xf32>,
        %parallel_loop3A_251 = arith.constant 9 : i32
        %parallel_loop3A_252 = vector.broadcast %parallel_loop3A_251 : i32 to vector<16xi32>
        %parallel_loop3A_253 = arith.constant 0 : i32
        %parallel_loop3A_254 = arith.constant 0 : i32
        %parallel_loop3A_255 = tpu.memref_slice %arg6[%rem3A_127, %parallel_loop3A_253, %parallel_loop3A_254] : memref<2x24x1024xf32, #tpu.memory_space<vmem>> -> memref<1x24x1024xf32, #tpu.memory_space<vmem>>
        %parallel_loop3A_256 = tpu.memref_squeeze %parallel_loop3A_255 : memref<1x24x1024xf32, #tpu.memory_space<vmem>> -> memref<24x1024xf32, #tpu.memory_space<vmem>>
        %parallel_loop3A_257 = tpu.vector_load_idx %parallel_loop3A_256[%parallel_loop3A_252, %parallel_loop3A_237] : memref<24x1024xf32, #tpu.memory_space<vmem>>[vector<16xi32>, vector<16xi32>], vector<16xf32>,
        %parallel_loop3A_258 = arith.constant 10 : i32
        %parallel_loop3A_259 = vector.broadcast %parallel_loop3A_258 : i32 to vector<16xi32>
        %parallel_loop3A_260 = arith.constant 0 : i32
        %parallel_loop3A_261 = arith.constant 0 : i32
        %parallel_loop3A_262 = tpu.memref_slice %arg6[%rem3A_127, %parallel_loop3A_260, %parallel_loop3A_261] : memref<2x24x1024xf32, #tpu.memory_space<vmem>> -> memref<1x24x1024xf32, #tpu.memory_space<vmem>>
        %parallel_loop3A_263 = tpu.memref_squeeze %parallel_loop3A_262 : memref<1x24x1024xf32, #tpu.memory_space<vmem>> -> memref<24x1024xf32, #tpu.memory_space<vmem>>
        %parallel_loop3A_264 = tpu.vector_load_idx %parallel_loop3A_263[%parallel_loop3A_259, %parallel_loop3A_237] : memref<24x1024xf32, #tpu.memory_space<vmem>>[vector<16xi32>, vector<16xi32>], vector<16xf32>,
        %parallel_loop3A_265 = arith.constant 11 : i32
        %parallel_loop3A_266 = vector.broadcast %parallel_loop3A_265 : i32 to vector<16xi32>
        %parallel_loop3A_267 = arith.constant 0 : i32
        %parallel_loop3A_268 = arith.constant 0 : i32
        %parallel_loop3A_269 = tpu.memref_slice %arg6[%rem3A_127, %parallel_loop3A_267, %parallel_loop3A_268] : memref<2x24x1024xf32, #tpu.memory_space<vmem>> -> memref<1x24x1024xf32, #tpu.memory_space<vmem>>
        %parallel_loop3A_270 = tpu.memref_squeeze %parallel_loop3A_269 : memref<1x24x1024xf32, #tpu.memory_space<vmem>> -> memref<24x1024xf32, #tpu.memory_space<vmem>>
        %parallel_loop3A_271 = tpu.vector_load_idx %parallel_loop3A_270[%parallel_loop3A_266, %parallel_loop3A_237] : memref<24x1024xf32, #tpu.memory_space<vmem>>[vector<16xi32>, vector<16xi32>], vector<16xf32>,
        %parallel_loop3A_272 = arith.constant 12 : i32
        %parallel_loop3A_273 = vector.broadcast %parallel_loop3A_272 : i32 to vector<16xi32>
        %parallel_loop3A_274 = arith.constant 0 : i32
        %parallel_loop3A_275 = arith.constant 0 : i32
        %parallel_loop3A_276 = tpu.memref_slice %arg6[%rem3A_127, %parallel_loop3A_274, %parallel_loop3A_275] : memref<2x24x1024xf32, #tpu.memory_space<vmem>> -> memref<1x24x1024xf32, #tpu.memory_space<vmem>>
        %parallel_loop3A_277 = tpu.memref_squeeze %parallel_loop3A_276 : memref<1x24x1024xf32, #tpu.memory_space<vmem>> -> memref<24x1024xf32, #tpu.memory_space<vmem>>
        %parallel_loop3A_278 = tpu.vector_load_idx %parallel_loop3A_277[%parallel_loop3A_273, %parallel_loop3A_237] : memref<24x1024xf32, #tpu.memory_space<vmem>>[vector<16xi32>, vector<16xi32>], vector<16xf32>,
        %parallel_loop3A_279 = arith.constant 13 : i32
        %parallel_loop3A_280 = vector.broadcast %parallel_loop3A_279 : i32 to vector<16xi32>
        %parallel_loop3A_281 = arith.constant 0 : i32
        %parallel_loop3A_282 = arith.constant 0 : i32
        %parallel_loop3A_283 = tpu.memref_slice %arg6[%rem3A_127, %parallel_loop3A_281, %parallel_loop3A_282] : memref<2x24x1024xf32, #tpu.memory_space<vmem>> -> memref<1x24x1024xf32, #tpu.memory_space<vmem>>
        %parallel_loop3A_284 = tpu.memref_squeeze %parallel_loop3A_283 : memref<1x24x1024xf32, #tpu.memory_space<vmem>> -> memref<24x1024xf32, #tpu.memory_space<vmem>>
        %parallel_loop3A_285 = tpu.vector_load_idx %parallel_loop3A_284[%parallel_loop3A_280, %parallel_loop3A_237] : memref<24x1024xf32, #tpu.memory_space<vmem>>[vector<16xi32>, vector<16xi32>], vector<16xf32>,
        %parallel_loop3A_286 = arith.constant 14 : i32
        %parallel_loop3A_287 = vector.broadcast %parallel_loop3A_286 : i32 to vector<16xi32>
        %parallel_loop3A_288 = arith.constant 0 : i32
        %parallel_loop3A_289 = arith.constant 0 : i32
        %parallel_loop3A_290 = tpu.memref_slice %arg6[%rem3A_127, %parallel_loop3A_288, %parallel_loop3A_289] : memref<2x24x1024xf32, #tpu.memory_space<vmem>> -> memref<1x24x1024xf32, #tpu.memory_space<vmem>>
        %parallel_loop3A_291 = tpu.memref_squeeze %parallel_loop3A_290 : memref<1x24x1024xf32, #tpu.memory_space<vmem>> -> memref<24x1024xf32, #tpu.memory_space<vmem>>
        %parallel_loop3A_292 = tpu.vector_load_idx %parallel_loop3A_291[%parallel_loop3A_287, %parallel_loop3A_237] : memref<24x1024xf32, #tpu.memory_space<vmem>>[vector<16xi32>, vector<16xi32>], vector<16xf32>,
        %parallel_loop3A_293 = arith.constant 15 : i32
        %parallel_loop3A_294 = vector.broadcast %parallel_loop3A_293 : i32 to vector<16xi32>
        %parallel_loop3A_295 = arith.constant 0 : i32
        %parallel_loop3A_296 = arith.constant 0 : i32
        %parallel_loop3A_297 = tpu.memref_slice %arg6[%rem3A_127, %parallel_loop3A_295, %parallel_loop3A_296] : memref<2x24x1024xf32, #tpu.memory_space<vmem>> -> memref<1x24x1024xf32, #tpu.memory_space<vmem>>
        %parallel_loop3A_298 = tpu.memref_squeeze %parallel_loop3A_297 : memref<1x24x1024xf32, #tpu.memory_space<vmem>> -> memref<24x1024xf32, #tpu.memory_space<vmem>>
        %parallel_loop3A_299 = tpu.vector_load_idx %parallel_loop3A_298[%parallel_loop3A_294, %parallel_loop3A_237] : memref<24x1024xf32, #tpu.memory_space<vmem>>[vector<16xi32>, vector<16xi32>], vector<16xf32>,
        %parallel_loop3A_300 = arith.constant 8 : i32
        %parallel_loop3A_301 = arith.index_cast %rem3A_127 : i32 to index
        %parallel_loop3A_302 = arith.index_cast %parallel_loop3A_239 : i32 to index
        %parallel_loop3A_303 = arith.index_cast %parallel_loop3A_300 : i32 to index
        %parallel_loop3A_304 = arith.index_cast %parallel_loop3A_243 : i32 to index
        %parallel_loop3A_305 = tpu.vector_load %arg7[%parallel_loop3A_301, %parallel_loop3A_302, %parallel_loop3A_303, %parallel_loop3A_304] {strides = array<i32>} : memref<2x2x24x512xf32, #tpu.memory_space<vmem>>, vector<16xf32>,
        tpu.vector_store %arg7[%parallel_loop3A_301, %parallel_loop3A_302, %parallel_loop3A_303, %parallel_loop3A_304], %parallel_loop3A_250 {strides = array<i32>} : memref<2x2x24x512xf32, #tpu.memory_space<vmem>>, vector<16xf32>,
        %parallel_loop3A_306 = arith.constant 9 : i32
        %parallel_loop3A_307 = arith.index_cast %rem3A_127 : i32 to index
        %parallel_loop3A_308 = arith.index_cast %parallel_loop3A_239 : i32 to index
        %parallel_loop3A_309 = arith.index_cast %parallel_loop3A_306 : i32 to index
        %parallel_loop3A_310 = arith.index_cast %parallel_loop3A_243 : i32 to index
        %parallel_loop3A_311 = tpu.vector_load %arg7[%parallel_loop3A_307, %parallel_loop3A_308, %parallel_loop3A_309, %parallel_loop3A_310] {strides = array<i32>} : memref<2x2x24x512xf32, #tpu.memory_space<vmem>>, vector<16xf32>,
        tpu.vector_store %arg7[%parallel_loop3A_307, %parallel_loop3A_308, %parallel_loop3A_309, %parallel_loop3A_310], %parallel_loop3A_257 {strides = array<i32>} : memref<2x2x24x512xf32, #tpu.memory_space<vmem>>, vector<16xf32>,
        %parallel_loop3A_312 = arith.constant 10 : i32
        %parallel_loop3A_313 = arith.index_cast %rem3A_127 : i32 to index
        %parallel_loop3A_314 = arith.index_cast %parallel_loop3A_239 : i32 to index
        %parallel_loop3A_315 = arith.index_cast %parallel_loop3A_312 : i32 to index
        %parallel_loop3A_316 = arith.index_cast %parallel_loop3A_243 : i32 to index
        %parallel_loop3A_317 = tpu.vector_load %arg7[%parallel_loop3A_313, %parallel_loop3A_314, %parallel_loop3A_315, %parallel_loop3A_316] {strides = array<i32>} : memref<2x2x24x512xf32, #tpu.memory_space<vmem>>, vector<16xf32>,
        tpu.vector_store %arg7[%parallel_loop3A_313, %parallel_loop3A_314, %parallel_loop3A_315, %parallel_loop3A_316], %parallel_loop3A_264 {strides = array<i32>} : memref<2x2x24x512xf32, #tpu.memory_space<vmem>>, vector<16xf32>,
        %parallel_loop3A_318 = arith.constant 11 : i32
        %parallel_loop3A_319 = arith.index_cast %rem3A_127 : i32 to index
        %parallel_loop3A_320 = arith.index_cast %parallel_loop3A_239 : i32 to index
        %parallel_loop3A_321 = arith.index_cast %parallel_loop3A_318 : i32 to index
        %parallel_loop3A_322 = arith.index_cast %parallel_loop3A_243 : i32 to index
        %parallel_loop3A_323 = tpu.vector_load %arg7[%parallel_loop3A_319, %parallel_loop3A_320, %parallel_loop3A_321, %parallel_loop3A_322] {strides = array<i32>} : memref<2x2x24x512xf32, #tpu.memory_space<vmem>>, vector<16xf32>,
        tpu.vector_store %arg7[%parallel_loop3A_319, %parallel_loop3A_320, %parallel_loop3A_321, %parallel_loop3A_322], %parallel_loop3A_271 {strides = array<i32>} : memref<2x2x24x512xf32, #tpu.memory_space<vmem>>, vector<16xf32>,
        %parallel_loop3A_324 = arith.constant 12 : i32
        %parallel_loop3A_325 = arith.index_cast %rem3A_127 : i32 to index
        %parallel_loop3A_326 = arith.index_cast %parallel_loop3A_239 : i32 to index
        %parallel_loop3A_327 = arith.index_cast %parallel_loop3A_324 : i32 to index
        %parallel_loop3A_328 = arith.index_cast %parallel_loop3A_243 : i32 to index
        %parallel_loop3A_329 = tpu.vector_load %arg7[%parallel_loop3A_325, %parallel_loop3A_326, %parallel_loop3A_327, %parallel_loop3A_328] {strides = array<i32>} : memref<2x2x24x512xf32, #tpu.memory_space<vmem>>, vector<16xf32>,
        tpu.vector_store %arg7[%parallel_loop3A_325, %parallel_loop3A_326, %parallel_loop3A_327, %parallel_loop3A_328], %parallel_loop3A_278 {strides = array<i32>} : memref<2x2x24x512xf32, #tpu.memory_space<vmem>>, vector<16xf32>,
        %parallel_loop3A_330 = arith.constant 13 : i32
        %parallel_loop3A_331 = arith.index_cast %rem3A_127 : i32 to index
        %parallel_loop3A_332 = arith.index_cast %parallel_loop3A_239 : i32 to index
        %parallel_loop3A_333 = arith.index_cast %parallel_loop3A_330 : i32 to index
        %parallel_loop3A_334 = arith.index_cast %parallel_loop3A_243 : i32 to index
        %parallel_loop3A_335 = tpu.vector_load %arg7[%parallel_loop3A_331, %parallel_loop3A_332, %parallel_loop3A_333, %parallel_loop3A_334] {strides = array<i32>} : memref<2x2x24x512xf32, #tpu.memory_space<vmem>>, vector<16xf32>,
        tpu.vector_store %arg7[%parallel_loop3A_331, %parallel_loop3A_332, %parallel_loop3A_333, %parallel_loop3A_334], %parallel_loop3A_285 {strides = array<i32>} : memref<2x2x24x512xf32, #tpu.memory_space<vmem>>, vector<16xf32>,
        %parallel_loop3A_336 = arith.constant 14 : i32
        %parallel_loop3A_337 = arith.index_cast %rem3A_127 : i32 to index
        %parallel_loop3A_338 = arith.index_cast %parallel_loop3A_239 : i32 to index
        %parallel_loop3A_339 = arith.index_cast %parallel_loop3A_336 : i32 to index
        %parallel_loop3A_340 = arith.index_cast %parallel_loop3A_243 : i32 to index
        %parallel_loop3A_341 = tpu.vector_load %arg7[%parallel_loop3A_337, %parallel_loop3A_338, %parallel_loop3A_339, %parallel_loop3A_340] {strides = array<i32>} : memref<2x2x24x512xf32, #tpu.memory_space<vmem>>, vector<16xf32>,
        tpu.vector_store %arg7[%parallel_loop3A_337, %parallel_loop3A_338, %parallel_loop3A_339, %parallel_loop3A_340], %parallel_loop3A_292 {strides = array<i32>} : memref<2x2x24x512xf32, #tpu.memory_space<vmem>>, vector<16xf32>,
        %parallel_loop3A_342 = arith.constant 15 : i32
        %parallel_loop3A_343 = arith.index_cast %rem3A_127 : i32 to index
        %parallel_loop3A_344 = arith.index_cast %parallel_loop3A_239 : i32 to index
        %parallel_loop3A_345 = arith.index_cast %parallel_loop3A_342 : i32 to index
        %parallel_loop3A_346 = arith.index_cast %parallel_loop3A_243 : i32 to index
        %parallel_loop3A_347 = tpu.vector_load %arg7[%parallel_loop3A_343, %parallel_loop3A_344, %parallel_loop3A_345, %parallel_loop3A_346] {strides = array<i32>} : memref<2x2x24x512xf32, #tpu.memory_space<vmem>>, vector<16xf32>,
        tpu.vector_store %arg7[%parallel_loop3A_343, %parallel_loop3A_344, %parallel_loop3A_345, %parallel_loop3A_346], %parallel_loop3A_299 {strides = array<i32>} : memref<2x2x24x512xf32, #tpu.memory_space<vmem>>, vector<16xf32>,
      } {sc.loop_unroll_factor = 8 : i64, sc.parallel_access}
      %parallel_loop3A_154 = arith.constant 0 : i32
      %parallel_loop3A_155 = arith.constant 64 : i32
      %parallel_loop3A_156 = arith.constant 1 : i32
      scf.for %parallel_loop3A_233 = %parallel_loop3A_154 to %parallel_loop3A_155 step %parallel_loop3A_156  : i32 {
        %parallel_loop3A_234 = arith.constant 16 : i32
        %parallel_loop3A_235 = arith.muli %parallel_loop3A_233, %parallel_loop3A_234 : i32
        %parallel_loop3A_236 = arith.index_cast %parallel_loop3A_235 : i32 to index
        %parallel_loop3A_237 = tpu.vector_load %arg5[%parallel_loop3A_236] {strides = array<i32>} : memref<1024xi32, #tpu.memory_space<vmem>>, vector<16xi32>,
        %parallel_loop3A_238 = arith.constant 5 : i32
        %parallel_loop3A_239 = arith.shrui %parallel_loop3A_233, %parallel_loop3A_238 : i32
        %parallel_loop3A_240 = arith.constant 31 : i32
        %parallel_loop3A_241 = arith.andi %parallel_loop3A_233, %parallel_loop3A_240 : i32
        %parallel_loop3A_242 = arith.constant 16 : i32
        %parallel_loop3A_243 = arith.muli %parallel_loop3A_241, %parallel_loop3A_242 : i32
        %parallel_loop3A_244 = arith.constant 16 : i32
        %parallel_loop3A_245 = vector.broadcast %parallel_loop3A_244 : i32 to vector<16xi32>
        %parallel_loop3A_246 = arith.constant 0 : i32
        %parallel_loop3A_247 = arith.constant 0 : i32
        %parallel_loop3A_248 = tpu.memref_slice %arg6[%rem3A_127, %parallel_loop3A_246, %parallel_loop3A_247] : memref<2x24x1024xf32, #tpu.memory_space<vmem>> -> memref<1x24x1024xf32, #tpu.memory_space<vmem>>
        %parallel_loop3A_249 = tpu.memref_squeeze %parallel_loop3A_248 : memref<1x24x1024xf32, #tpu.memory_space<vmem>> -> memref<24x1024xf32, #tpu.memory_space<vmem>>
        %parallel_loop3A_250 = tpu.vector_load_idx %parallel_loop3A_249[%parallel_loop3A_245, %parallel_loop3A_237] : memref<24x1024xf32, #tpu.memory_space<vmem>>[vector<16xi32>, vector<16xi32>], vector<16xf32>,
        %parallel_loop3A_251 = arith.constant 17 : i32
        %parallel_loop3A_252 = vector.broadcast %parallel_loop3A_251 : i32 to vector<16xi32>
        %parallel_loop3A_253 = arith.constant 0 : i32
        %parallel_loop3A_254 = arith.constant 0 : i32
        %parallel_loop3A_255 = tpu.memref_slice %arg6[%rem3A_127, %parallel_loop3A_253, %parallel_loop3A_254] : memref<2x24x1024xf32, #tpu.memory_space<vmem>> -> memref<1x24x1024xf32, #tpu.memory_space<vmem>>
        %parallel_loop3A_256 = tpu.memref_squeeze %parallel_loop3A_255 : memref<1x24x1024xf32, #tpu.memory_space<vmem>> -> memref<24x1024xf32, #tpu.memory_space<vmem>>
        %parallel_loop3A_257 = tpu.vector_load_idx %parallel_loop3A_256[%parallel_loop3A_252, %parallel_loop3A_237] : memref<24x1024xf32, #tpu.memory_space<vmem>>[vector<16xi32>, vector<16xi32>], vector<16xf32>,
        %parallel_loop3A_258 = arith.constant 18 : i32
        %parallel_loop3A_259 = vector.broadcast %parallel_loop3A_258 : i32 to vector<16xi32>
        %parallel_loop3A_260 = arith.constant 0 : i32
        %parallel_loop3A_261 = arith.constant 0 : i32
        %parallel_loop3A_262 = tpu.memref_slice %arg6[%rem3A_127, %parallel_loop3A_260, %parallel_loop3A_261] : memref<2x24x1024xf32, #tpu.memory_space<vmem>> -> memref<1x24x1024xf32, #tpu.memory_space<vmem>>
        %parallel_loop3A_263 = tpu.memref_squeeze %parallel_loop3A_262 : memref<1x24x1024xf32, #tpu.memory_space<vmem>> -> memref<24x1024xf32, #tpu.memory_space<vmem>>
        %parallel_loop3A_264 = tpu.vector_load_idx %parallel_loop3A_263[%parallel_loop3A_259, %parallel_loop3A_237] : memref<24x1024xf32, #tpu.memory_space<vmem>>[vector<16xi32>, vector<16xi32>], vector<16xf32>,
        %parallel_loop3A_265 = arith.constant 19 : i32
        %parallel_loop3A_266 = vector.broadcast %parallel_loop3A_265 : i32 to vector<16xi32>
        %parallel_loop3A_267 = arith.constant 0 : i32
        %parallel_loop3A_268 = arith.constant 0 : i32
        %parallel_loop3A_269 = tpu.memref_slice %arg6[%rem3A_127, %parallel_loop3A_267, %parallel_loop3A_268] : memref<2x24x1024xf32, #tpu.memory_space<vmem>> -> memref<1x24x1024xf32, #tpu.memory_space<vmem>>
        %parallel_loop3A_270 = tpu.memref_squeeze %parallel_loop3A_269 : memref<1x24x1024xf32, #tpu.memory_space<vmem>> -> memref<24x1024xf32, #tpu.memory_space<vmem>>
        %parallel_loop3A_271 = tpu.vector_load_idx %parallel_loop3A_270[%parallel_loop3A_266, %parallel_loop3A_237] : memref<24x1024xf32, #tpu.memory_space<vmem>>[vector<16xi32>, vector<16xi32>], vector<16xf32>,
        %parallel_loop3A_272 = arith.constant 20 : i32
        %parallel_loop3A_273 = vector.broadcast %parallel_loop3A_272 : i32 to vector<16xi32>
        %parallel_loop3A_274 = arith.constant 0 : i32
        %parallel_loop3A_275 = arith.constant 0 : i32
        %parallel_loop3A_276 = tpu.memref_slice %arg6[%rem3A_127, %parallel_loop3A_274, %parallel_loop3A_275] : memref<2x24x1024xf32, #tpu.memory_space<vmem>> -> memref<1x24x1024xf32, #tpu.memory_space<vmem>>
        %parallel_loop3A_277 = tpu.memref_squeeze %parallel_loop3A_276 : memref<1x24x1024xf32, #tpu.memory_space<vmem>> -> memref<24x1024xf32, #tpu.memory_space<vmem>>
        %parallel_loop3A_278 = tpu.vector_load_idx %parallel_loop3A_277[%parallel_loop3A_273, %parallel_loop3A_237] : memref<24x1024xf32, #tpu.memory_space<vmem>>[vector<16xi32>, vector<16xi32>], vector<16xf32>,
        %parallel_loop3A_279 = arith.constant 21 : i32
        %parallel_loop3A_280 = vector.broadcast %parallel_loop3A_279 : i32 to vector<16xi32>
        %parallel_loop3A_281 = arith.constant 0 : i32
        %parallel_loop3A_282 = arith.constant 0 : i32
        %parallel_loop3A_283 = tpu.memref_slice %arg6[%rem3A_127, %parallel_loop3A_281, %parallel_loop3A_282] : memref<2x24x1024xf32, #tpu.memory_space<vmem>> -> memref<1x24x1024xf32, #tpu.memory_space<vmem>>
        %parallel_loop3A_284 = tpu.memref_squeeze %parallel_loop3A_283 : memref<1x24x1024xf32, #tpu.memory_space<vmem>> -> memref<24x1024xf32, #tpu.memory_space<vmem>>
        %parallel_loop3A_285 = tpu.vector_load_idx %parallel_loop3A_284[%parallel_loop3A_280, %parallel_loop3A_237] : memref<24x1024xf32, #tpu.memory_space<vmem>>[vector<16xi32>, vector<16xi32>], vector<16xf32>,
        %parallel_loop3A_286 = arith.constant 22 : i32
        %parallel_loop3A_287 = vector.broadcast %parallel_loop3A_286 : i32 to vector<16xi32>
        %parallel_loop3A_288 = arith.constant 0 : i32
        %parallel_loop3A_289 = arith.constant 0 : i32
        %parallel_loop3A_290 = tpu.memref_slice %arg6[%rem3A_127, %parallel_loop3A_288, %parallel_loop3A_289] : memref<2x24x1024xf32, #tpu.memory_space<vmem>> -> memref<1x24x1024xf32, #tpu.memory_space<vmem>>
        %parallel_loop3A_291 = tpu.memref_squeeze %parallel_loop3A_290 : memref<1x24x1024xf32, #tpu.memory_space<vmem>> -> memref<24x1024xf32, #tpu.memory_space<vmem>>
        %parallel_loop3A_292 = tpu.vector_load_idx %parallel_loop3A_291[%parallel_loop3A_287, %parallel_loop3A_237] : memref<24x1024xf32, #tpu.memory_space<vmem>>[vector<16xi32>, vector<16xi32>], vector<16xf32>,
        %parallel_loop3A_293 = arith.constant 23 : i32
        %parallel_loop3A_294 = vector.broadcast %parallel_loop3A_293 : i32 to vector<16xi32>
        %parallel_loop3A_295 = arith.constant 0 : i32
        %parallel_loop3A_296 = arith.constant 0 : i32
        %parallel_loop3A_297 = tpu.memref_slice %arg6[%rem3A_127, %parallel_loop3A_295, %parallel_loop3A_296] : memref<2x24x1024xf32, #tpu.memory_space<vmem>> -> memref<1x24x1024xf32, #tpu.memory_space<vmem>>
        %parallel_loop3A_298 = tpu.memref_squeeze %parallel_loop3A_297 : memref<1x24x1024xf32, #tpu.memory_space<vmem>> -> memref<24x1024xf32, #tpu.memory_space<vmem>>
        %parallel_loop3A_299 = tpu.vector_load_idx %parallel_loop3A_298[%parallel_loop3A_294, %parallel_loop3A_237] : memref<24x1024xf32, #tpu.memory_space<vmem>>[vector<16xi32>, vector<16xi32>], vector<16xf32>,
        %parallel_loop3A_300 = arith.constant 16 : i32
        %parallel_loop3A_301 = arith.index_cast %rem3A_127 : i32 to index
        %parallel_loop3A_302 = arith.index_cast %parallel_loop3A_239 : i32 to index
        %parallel_loop3A_303 = arith.index_cast %parallel_loop3A_300 : i32 to index
        %parallel_loop3A_304 = arith.index_cast %parallel_loop3A_243 : i32 to index
        %parallel_loop3A_305 = tpu.vector_load %arg7[%parallel_loop3A_301, %parallel_loop3A_302, %parallel_loop3A_303, %parallel_loop3A_304] {strides = array<i32>} : memref<2x2x24x512xf32, #tpu.memory_space<vmem>>, vector<16xf32>,
        tpu.vector_store %arg7[%parallel_loop3A_301, %parallel_loop3A_302, %parallel_loop3A_303, %parallel_loop3A_304], %parallel_loop3A_250 {strides = array<i32>} : memref<2x2x24x512xf32, #tpu.memory_space<vmem>>, vector<16xf32>,
        %parallel_loop3A_306 = arith.constant 17 : i32
        %parallel_loop3A_307 = arith.index_cast %rem3A_127 : i32 to index
        %parallel_loop3A_308 = arith.index_cast %parallel_loop3A_239 : i32 to index
        %parallel_loop3A_309 = arith.index_cast %parallel_loop3A_306 : i32 to index
        %parallel_loop3A_310 = arith.index_cast %parallel_loop3A_243 : i32 to index
        %parallel_loop3A_311 = tpu.vector_load %arg7[%parallel_loop3A_307, %parallel_loop3A_308, %parallel_loop3A_309, %parallel_loop3A_310] {strides = array<i32>} : memref<2x2x24x512xf32, #tpu.memory_space<vmem>>, vector<16xf32>,
        tpu.vector_store %arg7[%parallel_loop3A_307, %parallel_loop3A_308, %parallel_loop3A_309, %parallel_loop3A_310], %parallel_loop3A_257 {strides = array<i32>} : memref<2x2x24x512xf32, #tpu.memory_space<vmem>>, vector<16xf32>,
        %parallel_loop3A_312 = arith.constant 18 : i32
        %parallel_loop3A_313 = arith.index_cast %rem3A_127 : i32 to index
        %parallel_loop3A_314 = arith.index_cast %parallel_loop3A_239 : i32 to index
        %parallel_loop3A_315 = arith.index_cast %parallel_loop3A_312 : i32 to index
        %parallel_loop3A_316 = arith.index_cast %parallel_loop3A_243 : i32 to index
        %parallel_loop3A_317 = tpu.vector_load %arg7[%parallel_loop3A_313, %parallel_loop3A_314, %parallel_loop3A_315, %parallel_loop3A_316] {strides = array<i32>} : memref<2x2x24x512xf32, #tpu.memory_space<vmem>>, vector<16xf32>,
        tpu.vector_store %arg7[%parallel_loop3A_313, %parallel_loop3A_314, %parallel_loop3A_315, %parallel_loop3A_316], %parallel_loop3A_264 {strides = array<i32>} : memref<2x2x24x512xf32, #tpu.memory_space<vmem>>, vector<16xf32>,
        %parallel_loop3A_318 = arith.constant 19 : i32
        %parallel_loop3A_319 = arith.index_cast %rem3A_127 : i32 to index
        %parallel_loop3A_320 = arith.index_cast %parallel_loop3A_239 : i32 to index
        %parallel_loop3A_321 = arith.index_cast %parallel_loop3A_318 : i32 to index
        %parallel_loop3A_322 = arith.index_cast %parallel_loop3A_243 : i32 to index
        %parallel_loop3A_323 = tpu.vector_load %arg7[%parallel_loop3A_319, %parallel_loop3A_320, %parallel_loop3A_321, %parallel_loop3A_322] {strides = array<i32>} : memref<2x2x24x512xf32, #tpu.memory_space<vmem>>, vector<16xf32>,
        tpu.vector_store %arg7[%parallel_loop3A_319, %parallel_loop3A_320, %parallel_loop3A_321, %parallel_loop3A_322], %parallel_loop3A_271 {strides = array<i32>} : memref<2x2x24x512xf32, #tpu.memory_space<vmem>>, vector<16xf32>,
        %parallel_loop3A_324 = arith.constant 20 : i32
        %parallel_loop3A_325 = arith.index_cast %rem3A_127 : i32 to index
        %parallel_loop3A_326 = arith.index_cast %parallel_loop3A_239 : i32 to index
        %parallel_loop3A_327 = arith.index_cast %parallel_loop3A_324 : i32 to index
        %parallel_loop3A_328 = arith.index_cast %parallel_loop3A_243 : i32 to index
        %parallel_loop3A_329 = tpu.vector_load %arg7[%parallel_loop3A_325, %parallel_loop3A_326, %parallel_loop3A_327, %parallel_loop3A_328] {strides = array<i32>} : memref<2x2x24x512xf32, #tpu.memory_space<vmem>>, vector<16xf32>,
        tpu.vector_store %arg7[%parallel_loop3A_325, %parallel_loop3A_326, %parallel_loop3A_327, %parallel_loop3A_328], %parallel_loop3A_278 {strides = array<i32>} : memref<2x2x24x512xf32, #tpu.memory_space<vmem>>, vector<16xf32>,
        %parallel_loop3A_330 = arith.constant 21 : i32
        %parallel_loop3A_331 = arith.index_cast %rem3A_127 : i32 to index
        %parallel_loop3A_332 = arith.index_cast %parallel_loop3A_239 : i32 to index
        %parallel_loop3A_333 = arith.index_cast %parallel_loop3A_330 : i32 to index
        %parallel_loop3A_334 = arith.index_cast %parallel_loop3A_243 : i32 to index
        %parallel_loop3A_335 = tpu.vector_load %arg7[%parallel_loop3A_331, %parallel_loop3A_332, %parallel_loop3A_333, %parallel_loop3A_334] {strides = array<i32>} : memref<2x2x24x512xf32, #tpu.memory_space<vmem>>, vector<16xf32>,
        tpu.vector_store %arg7[%parallel_loop3A_331, %parallel_loop3A_332, %parallel_loop3A_333, %parallel_loop3A_334], %parallel_loop3A_285 {strides = array<i32>} : memref<2x2x24x512xf32, #tpu.memory_space<vmem>>, vector<16xf32>,
        %parallel_loop3A_336 = arith.constant 22 : i32
        %parallel_loop3A_337 = arith.index_cast %rem3A_127 : i32 to index
        %parallel_loop3A_338 = arith.index_cast %parallel_loop3A_239 : i32 to index
        %parallel_loop3A_339 = arith.index_cast %parallel_loop3A_336 : i32 to index
        %parallel_loop3A_340 = arith.index_cast %parallel_loop3A_243 : i32 to index
        %parallel_loop3A_341 = tpu.vector_load %arg7[%parallel_loop3A_337, %parallel_loop3A_338, %parallel_loop3A_339, %parallel_loop3A_340] {strides = array<i32>} : memref<2x2x24x512xf32, #tpu.memory_space<vmem>>, vector<16xf32>,
        tpu.vector_store %arg7[%parallel_loop3A_337, %parallel_loop3A_338, %parallel_loop3A_339, %parallel_loop3A_340], %parallel_loop3A_292 {strides = array<i32>} : memref<2x2x24x512xf32, #tpu.memory_space<vmem>>, vector<16xf32>,
        %parallel_loop3A_342 = arith.constant 23 : i32
        %parallel_loop3A_343 = arith.index_cast %rem3A_127 : i32 to index
        %parallel_loop3A_344 = arith.index_cast %parallel_loop3A_239 : i32 to index
        %parallel_loop3A_345 = arith.index_cast %parallel_loop3A_342 : i32 to index
        %parallel_loop3A_346 = arith.index_cast %parallel_loop3A_243 : i32 to index
        %parallel_loop3A_347 = tpu.vector_load %arg7[%parallel_loop3A_343, %parallel_loop3A_344, %parallel_loop3A_345, %parallel_loop3A_346] {strides = array<i32>} : memref<2x2x24x512xf32, #tpu.memory_space<vmem>>, vector<16xf32>,
        tpu.vector_store %arg7[%parallel_loop3A_343, %parallel_loop3A_344, %parallel_loop3A_345, %parallel_loop3A_346], %parallel_loop3A_299 {strides = array<i32>} : memref<2x2x24x512xf32, #tpu.memory_space<vmem>>, vector<16xf32>,
      } {sc.loop_unroll_factor = 8 : i64, sc.parallel_access}
      %jit3A = arith.constant 24 : i32
      %div3A = arith.divsi %add3A_130, %jit3A : i32
      %sign3A = arith.constant 0 : i32
      %sign3A_157 = arith.cmpi sgt, %add3A_130, %sign3A : i32
      %sign3A_158 = arith.extui %sign3A_157 : i1 to i32
      %sign3A_159 = arith.constant 0 : i32
      %sign3A_160 = arith.cmpi slt, %add3A_130, %sign3A_159 : i32
      %sign3A_161 = arith.extui %sign3A_160 : i1 to i32
      %sign3A_162 = arith.subi %sign3A_158, %sign3A_161 : i32
      %sign3A_163 = arith.constant 0 : i32
      %sign3A_164 = arith.cmpi sgt, %jit3A, %sign3A_163 : i32
      %sign3A_165 = arith.extui %sign3A_164 : i1 to i32
      %sign3A_166 = arith.constant 0 : i32
      %sign3A_167 = arith.cmpi slt, %jit3A, %sign3A_166 : i32
      %sign3A_168 = arith.extui %sign3A_167 : i1 to i32
      %sign3A_169 = arith.subi %sign3A_165, %sign3A_168 : i32
      %ne3A = arith.cmpi ne, %sign3A_162, %sign3A_169 : i32
      %rem3A_170 = arith.remsi %add3A_130, %jit3A : i32
      %ne3A_171 = arith.constant 0 : i32
      %ne3A_172 = arith.cmpi ne, %rem3A_170, %ne3A_171 : i32
      %and3A = arith.andi %ne3A, %ne3A_172 : i1
      %sub3A = arith.constant 1 : i32
      %sub3A_173 = arith.subi %div3A, %sub3A : i32
      %select_n3A = arith.select %and3A, %sub3A_173, %div3A : i32
      %mul3A_174 = arith.constant 24 : i32
      %mul3A_175 = arith.muli %select_n3A, %mul3A_174 : i32
      %sub3A_176 = arith.subi %add3A_130, %mul3A_175 : i32
      %mul3A_177 = arith.constant 2 : i32
      %mul3A_178 = arith.muli %select_n3A, %mul3A_177 : i32
      %add3A_179 = arith.constant 0 : i32
      %add3A_180 = arith.addi %mul3A_178, %add3A_179 : i32
      %mul3A_181 = arith.constant 24 : i32
      %mul3A_182 = arith.muli %add3A_180, %mul3A_181 : i32
      %add3A_183 = arith.addi %mul3A_182, %sub3A_176 : i32
      %mul3A_184 = arith.constant 8 : i32
      %mul3A_185 = arith.muli %add3A_183, %mul3A_184 : i32
      %dma_start3A_186 = arith.constant 0 : i32
      %dma_start3A_187 = arith.constant 0 : i32
      %dma_start3A_188 = arith.constant 0 : i32
      %dma_start3A_189 = arith.constant 0 : i32
      %dma_start3A_190 = tpu.memref_slice %arg7[%rem3A_127, %dma_start3A_186, %dma_start3A_188, %dma_start3A_189] : memref<2x2x24x512xf32, #tpu.memory_space<vmem>> -> memref<1x1x24x512xf32, #tpu.memory_space<vmem>>
      %dma_start3A_191 = tpu.memref_squeeze %dma_start3A_190 : memref<1x1x24x512xf32, #tpu.memory_space<vmem>> -> memref<24x512xf32, #tpu.memory_space<vmem>>
      %dma_start3A_192 = arith.constant 0 : i32
      %dma_start3A_193 = tpu.memref_slice %arg4[%mul3A_185, %dma_start3A_192] : memref<24576x512xf32, #tpu.memory_space<hbm>> -> memref<24x512xf32, #tpu.memory_space<hbm>>
      %dma_start3A_194 = tpu.memref_slice %arg9[%rem3A_127, %dma_start3A_187] : memref<2x2x!tpu.dma_semaphore, #tpu.memory_space<semaphore_mem>> -> memref<1x1x!tpu.dma_semaphore, #tpu.memory_space<semaphore_mem>>
      %dma_start3A_195 = tpu.memref_squeeze %dma_start3A_194 : memref<1x1x!tpu.dma_semaphore, #tpu.memory_space<semaphore_mem>> -> memref<!tpu.dma_semaphore, #tpu.memory_space<semaphore_mem>>
      %dma_start3A_196 = arith.constant 0 : i32
      %dma_start3A_197 = tpu.memref_slice %arg4[%mul3A_185, %dma_start3A_196] : memref<24576x512xf32, #tpu.memory_space<hbm>> -> memref<24x512xf32, #tpu.memory_space<hbm>>
      %dma_start3A_198 = arith.constant 0 : i32
      %dma_start3A_199 = arith.constant 0 : i32
      %dma_start3A_200 = tpu.memref_slice %arg7[%rem3A_127, %dma_start3A_186, %dma_start3A_198, %dma_start3A_199] : memref<2x2x24x512xf32, #tpu.memory_space<vmem>> -> memref<1x1x24x512xf32, #tpu.memory_space<vmem>>
      %dma_start3A_201 = tpu.memref_squeeze %dma_start3A_200 : memref<1x1x24x512xf32, #tpu.memory_space<vmem>> -> memref<24x512xf32, #tpu.memory_space<vmem>>
      tpu.enqueue_dma source(%dma_start3A_201 : memref<24x512xf32, #tpu.memory_space<vmem>>) target(%dma_start3A_197 : memref<24x512xf32, #tpu.memory_space<hbm>>) target_semaphore(%dma_start3A_195 : memref<!tpu.dma_semaphore, #tpu.memory_space<semaphore_mem>>)
      %mul3A_202 = arith.constant 2 : i32
      %mul3A_203 = arith.muli %select_n3A, %mul3A_202 : i32
      %add3A_204 = arith.constant 1 : i32
      %add3A_205 = arith.addi %mul3A_203, %add3A_204 : i32
      %mul3A_206 = arith.constant 24 : i32
      %mul3A_207 = arith.muli %add3A_205, %mul3A_206 : i32
      %add3A_208 = arith.addi %mul3A_207, %sub3A_176 : i32
      %mul3A_209 = arith.constant 8 : i32
      %mul3A_210 = arith.muli %add3A_208, %mul3A_209 : i32
      %dma_start3A_211 = arith.constant 1 : i32
      %dma_start3A_212 = arith.constant 1 : i32
      %dma_start3A_213 = arith.constant 0 : i32
      %dma_start3A_214 = arith.constant 0 : i32
      %dma_start3A_215 = tpu.memref_slice %arg7[%rem3A_127, %dma_start3A_211, %dma_start3A_213, %dma_start3A_214] : memref<2x2x24x512xf32, #tpu.memory_space<vmem>> -> memref<1x1x24x512xf32, #tpu.memory_space<vmem>>
      %dma_start3A_216 = tpu.memref_squeeze %dma_start3A_215 : memref<1x1x24x512xf32, #tpu.memory_space<vmem>> -> memref<24x512xf32, #tpu.memory_space<vmem>>
      %dma_start3A_217 = arith.constant 0 : i32
      %dma_start3A_218 = tpu.memref_slice %arg4[%mul3A_210, %dma_start3A_217] : memref<24576x512xf32, #tpu.memory_space<hbm>> -> memref<24x512xf32, #tpu.memory_space<hbm>>
      %dma_start3A_219 = tpu.memref_slice %arg9[%rem3A_127, %dma_start3A_212] : memref<2x2x!tpu.dma_semaphore, #tpu.memory_space<semaphore_mem>> -> memref<1x1x!tpu.dma_semaphore, #tpu.memory_space<semaphore_mem>>
      %dma_start3A_220 = tpu.memref_squeeze %dma_start3A_219 : memref<1x1x!tpu.dma_semaphore, #tpu.memory_space<semaphore_mem>> -> memref<!tpu.dma_semaphore, #tpu.memory_space<semaphore_mem>>
      %dma_start3A_221 = arith.constant 0 : i32
      %dma_start3A_222 = tpu.memref_slice %arg4[%mul3A_210, %dma_start3A_221] : memref<24576x512xf32, #tpu.memory_space<hbm>> -> memref<24x512xf32, #tpu.memory_space<hbm>>
      %dma_start3A_223 = arith.constant 0 : i32
      %dma_start3A_224 = arith.constant 0 : i32
      %dma_start3A_225 = tpu.memref_slice %arg7[%rem3A_127, %dma_start3A_211, %dma_start3A_223, %dma_start3A_224] : memref<2x2x24x512xf32, #tpu.memory_space<vmem>> -> memref<1x1x24x512xf32, #tpu.memory_space<vmem>>
      %dma_start3A_226 = tpu.memref_squeeze %dma_start3A_225 : memref<1x1x24x512xf32, #tpu.memory_space<vmem>> -> memref<24x512xf32, #tpu.memory_space<vmem>>
      tpu.enqueue_dma source(%dma_start3A_226 : memref<24x512xf32, #tpu.memory_space<vmem>>) target(%dma_start3A_222 : memref<24x512xf32, #tpu.memory_space<hbm>>) target_semaphore(%dma_start3A_220 : memref<!tpu.dma_semaphore, #tpu.memory_space<semaphore_mem>>)
      %add3A_227 = arith.constant 2 : i32
      %add3A_228 = arith.addi %scan3A_126, %add3A_227 : i32
      %lt3A = arith.constant 16 : i32
      %lt3A_229 = arith.cmpi slt, %add3A_228, %lt3A : i32
      %convert_element_type3A_230 = arith.extui %lt3A_229 : i1 to i32
      %cond3A_231 = arith.constant 0 : i32
      %cond3A_232 = arith.cmpi ne, %convert_element_type3A_230, %cond3A_231 : i32
      scf.if %cond3A_232 {
        %add3A_233 = arith.constant 6 : i32
        %add3A_234 = arith.addi %add3A_130, %add3A_233 : i32
        %mul3A_235 = arith.constant 8 : i32
        %mul3A_236 = arith.muli %add3A_234, %mul3A_235 : i32
        %dma_start3A_237 = arith.constant 0 : i32
        %dma_start3A_238 = arith.constant 0 : i32
        %dma_start3A_239 = tpu.memref_slice %arg6[%rem3A_127, %dma_start3A_237, %dma_start3A_238] : memref<2x24x1024xf32, #tpu.memory_space<vmem>> -> memref<1x24x1024xf32, #tpu.memory_space<vmem>>
        %dma_start3A_240 = tpu.memref_squeeze %dma_start3A_239 : memref<1x24x1024xf32, #tpu.memory_space<vmem>> -> memref<24x1024xf32, #tpu.memory_space<vmem>>
        %dma_start3A_241 = arith.constant 0 : i32
        %dma_start3A_242 = tpu.memref_slice %arg2[%mul3A_236, %dma_start3A_241] : memref<12288x1024xf32, #tpu.memory_space<hbm>> -> memref<24x1024xf32, #tpu.memory_space<hbm>>
        %dma_start3A_243 = tpu.memref_slice %arg8[%rem3A_127] : memref<2x!tpu.dma_semaphore, #tpu.memory_space<semaphore_mem>> -> memref<1x!tpu.dma_semaphore, #tpu.memory_space<semaphore_mem>>
        %dma_start3A_244 = tpu.memref_squeeze %dma_start3A_243 : memref<1x!tpu.dma_semaphore, #tpu.memory_space<semaphore_mem>> -> memref<!tpu.dma_semaphore, #tpu.memory_space<semaphore_mem>>
        %dma_start3A_245 = arith.constant 0 : i32
        %dma_start3A_246 = arith.constant 0 : i32
        %dma_start3A_247 = tpu.memref_slice %arg6[%rem3A_127, %dma_start3A_245, %dma_start3A_246] : memref<2x24x1024xf32, #tpu.memory_space<vmem>> -> memref<1x24x1024xf32, #tpu.memory_space<vmem>>
        %dma_start3A_248 = tpu.memref_squeeze %dma_start3A_247 : memref<1x24x1024xf32, #tpu.memory_space<vmem>> -> memref<24x1024xf32, #tpu.memory_space<vmem>>
        %dma_start3A_249 = arith.constant 0 : i32
        %dma_start3A_250 = tpu.memref_slice %arg2[%mul3A_236, %dma_start3A_249] : memref<12288x1024xf32, #tpu.memory_space<hbm>> -> memref<24x1024xf32, #tpu.memory_space<hbm>>
        tpu.enqueue_dma source(%dma_start3A_250 : memref<24x1024xf32, #tpu.memory_space<hbm>>) target(%dma_start3A_248 : memref<24x1024xf32, #tpu.memory_space<vmem>>) target_semaphore(%dma_start3A_244 : memref<!tpu.dma_semaphore, #tpu.memory_space<semaphore_mem>>)
      } else {
      }
    }
    %scan3A_46 = arith.constant 16 : i32
    %dma_wait3A = arith.constant 0 : i32
    %dma_wait3A_47 = arith.constant 0 : i32
    %dma_wait3A_48 = arith.constant 0 : i32
    %dma_wait3A_49 = arith.constant 0 : i32
    %dma_wait3A_50 = arith.constant 0 : i32
    %dma_wait3A_51 = arith.constant 0 : i32
    %dma_wait3A_52 = tpu.memref_slice %arg7[%dma_wait3A, %dma_wait3A_47, %dma_wait3A_50, %dma_wait3A_51] : memref<2x2x24x512xf32, #tpu.memory_space<vmem>> -> memref<1x1x24x512xf32, #tpu.memory_space<vmem>>
    %dma_wait3A_53 = tpu.memref_squeeze %dma_wait3A_52 : memref<1x1x24x512xf32, #tpu.memory_space<vmem>> -> memref<24x512xf32, #tpu.memory_space<vmem>>
    %dma_wait3A_54 = arith.constant 0 : i32
    %dma_wait3A_55 = arith.constant 0 : i32
    %dma_wait3A_56 = tpu.memref_slice %arg4[%dma_wait3A_54, %dma_wait3A_55] : memref<24576x512xf32, #tpu.memory_space<hbm>> -> memref<24x512xf32, #tpu.memory_space<hbm>>
    %dma_wait3A_57 = tpu.memref_slice %arg9[%dma_wait3A_48, %dma_wait3A_49] : memref<2x2x!tpu.dma_semaphore, #tpu.memory_space<semaphore_mem>> -> memref<1x1x!tpu.dma_semaphore, #tpu.memory_space<semaphore_mem>>
    %dma_wait3A_58 = tpu.memref_squeeze %dma_wait3A_57 : memref<1x1x!tpu.dma_semaphore, #tpu.memory_space<semaphore_mem>> -> memref<!tpu.dma_semaphore, #tpu.memory_space<semaphore_mem>>
    %dma_wait3A_59 = arith.constant 0 : i32
    %dma_wait3A_60 = arith.constant 0 : i32
    %dma_wait3A_61 = tpu.memref_slice %arg4[%dma_wait3A_59, %dma_wait3A_60] : memref<24576x512xf32, #tpu.memory_space<hbm>> -> memref<24x512xf32, #tpu.memory_space<hbm>>
    %dma_wait3A_62 = arith.constant 0 : i32
    %dma_wait3A_63 = arith.constant 0 : i32
    %dma_wait3A_64 = tpu.memref_slice %arg7[%dma_wait3A, %dma_wait3A_47, %dma_wait3A_62, %dma_wait3A_63] : memref<2x2x24x512xf32, #tpu.memory_space<vmem>> -> memref<1x1x24x512xf32, #tpu.memory_space<vmem>>
    %dma_wait3A_65 = tpu.memref_squeeze %dma_wait3A_64 : memref<1x1x24x512xf32, #tpu.memory_space<vmem>> -> memref<24x512xf32, #tpu.memory_space<vmem>>
    tpu.wait_dma2 semaphore(%dma_wait3A_58 : memref<!tpu.dma_semaphore, #tpu.memory_space<semaphore_mem>>) src(%dma_wait3A_65 : memref<24x512xf32, #tpu.memory_space<vmem>>) dst(%dma_wait3A_61 : memref<24x512xf32, #tpu.memory_space<hbm>>)
    %dma_wait3A_66 = arith.constant 0 : i32
    %dma_wait3A_67 = arith.constant 1 : i32
    %dma_wait3A_68 = arith.constant 0 : i32
    %dma_wait3A_69 = arith.constant 1 : i32
    %dma_wait3A_70 = arith.constant 0 : i32
    %dma_wait3A_71 = arith.constant 0 : i32
    %dma_wait3A_72 = tpu.memref_slice %arg7[%dma_wait3A_66, %dma_wait3A_67, %dma_wait3A_70, %dma_wait3A_71] : memref<2x2x24x512xf32, #tpu.memory_space<vmem>> -> memref<1x1x24x512xf32, #tpu.memory_space<vmem>>
    %dma_wait3A_73 = tpu.memref_squeeze %dma_wait3A_72 : memref<1x1x24x512xf32, #tpu.memory_space<vmem>> -> memref<24x512xf32, #tpu.memory_space<vmem>>
    %dma_wait3A_74 = arith.constant 0 : i32
    %dma_wait3A_75 = arith.constant 0 : i32
    %dma_wait3A_76 = tpu.memref_slice %arg4[%dma_wait3A_74, %dma_wait3A_75] : memref<24576x512xf32, #tpu.memory_space<hbm>> -> memref<24x512xf32, #tpu.memory_space<hbm>>
    %dma_wait3A_77 = tpu.memref_slice %arg9[%dma_wait3A_68, %dma_wait3A_69] : memref<2x2x!tpu.dma_semaphore, #tpu.memory_space<semaphore_mem>> -> memref<1x1x!tpu.dma_semaphore, #tpu.memory_space<semaphore_mem>>
    %dma_wait3A_78 = tpu.memref_squeeze %dma_wait3A_77 : memref<1x1x!tpu.dma_semaphore, #tpu.memory_space<semaphore_mem>> -> memref<!tpu.dma_semaphore, #tpu.memory_space<semaphore_mem>>
    %dma_wait3A_79 = arith.constant 0 : i32
    %dma_wait3A_80 = arith.constant 0 : i32
    %dma_wait3A_81 = tpu.memref_slice %arg4[%dma_wait3A_79, %dma_wait3A_80] : memref<24576x512xf32, #tpu.memory_space<hbm>> -> memref<24x512xf32, #tpu.memory_space<hbm>>
    %dma_wait3A_82 = arith.constant 0 : i32
    %dma_wait3A_83 = arith.constant 0 : i32
    %dma_wait3A_84 = tpu.memref_slice %arg7[%dma_wait3A_66, %dma_wait3A_67, %dma_wait3A_82, %dma_wait3A_83] : memref<2x2x24x512xf32, #tpu.memory_space<vmem>> -> memref<1x1x24x512xf32, #tpu.memory_space<vmem>>
    %dma_wait3A_85 = tpu.memref_squeeze %dma_wait3A_84 : memref<1x1x24x512xf32, #tpu.memory_space<vmem>> -> memref<24x512xf32, #tpu.memory_space<vmem>>
    tpu.wait_dma2 semaphore(%dma_wait3A_78 : memref<!tpu.dma_semaphore, #tpu.memory_space<semaphore_mem>>) src(%dma_wait3A_85 : memref<24x512xf32, #tpu.memory_space<vmem>>) dst(%dma_wait3A_81 : memref<24x512xf32, #tpu.memory_space<hbm>>)
    %dma_wait3A_86 = arith.constant 1 : i32
    %dma_wait3A_87 = arith.constant 0 : i32
    %dma_wait3A_88 = arith.constant 1 : i32
    %dma_wait3A_89 = arith.constant 0 : i32
    %dma_wait3A_90 = arith.constant 0 : i32
    %dma_wait3A_91 = arith.constant 0 : i32
    %dma_wait3A_92 = tpu.memref_slice %arg7[%dma_wait3A_86, %dma_wait3A_87, %dma_wait3A_90, %dma_wait3A_91] : memref<2x2x24x512xf32, #tpu.memory_space<vmem>> -> memref<1x1x24x512xf32, #tpu.memory_space<vmem>>
    %dma_wait3A_93 = tpu.memref_squeeze %dma_wait3A_92 : memref<1x1x24x512xf32, #tpu.memory_space<vmem>> -> memref<24x512xf32, #tpu.memory_space<vmem>>
    %dma_wait3A_94 = arith.constant 0 : i32
    %dma_wait3A_95 = arith.constant 0 : i32
    %dma_wait3A_96 = tpu.memref_slice %arg4[%dma_wait3A_94, %dma_wait3A_95] : memref<24576x512xf32, #tpu.memory_space<hbm>> -> memref<24x512xf32, #tpu.memory_space<hbm>>
    %dma_wait3A_97 = tpu.memref_slice %arg9[%dma_wait3A_88, %dma_wait3A_89] : memref<2x2x!tpu.dma_semaphore, #tpu.memory_space<semaphore_mem>> -> memref<1x1x!tpu.dma_semaphore, #tpu.memory_space<semaphore_mem>>
    %dma_wait3A_98 = tpu.memref_squeeze %dma_wait3A_97 : memref<1x1x!tpu.dma_semaphore, #tpu.memory_space<semaphore_mem>> -> memref<!tpu.dma_semaphore, #tpu.memory_space<semaphore_mem>>
    %dma_wait3A_99 = arith.constant 0 : i32
    %dma_wait3A_100 = arith.constant 0 : i32
    %dma_wait3A_101 = tpu.memref_slice %arg4[%dma_wait3A_99, %dma_wait3A_100] : memref<24576x512xf32, #tpu.memory_space<hbm>> -> memref<24x512xf32, #tpu.memory_space<hbm>>
    %dma_wait3A_102 = arith.constant 0 : i32
    %dma_wait3A_103 = arith.constant 0 : i32
    %dma_wait3A_104 = tpu.memref_slice %arg7[%dma_wait3A_86, %dma_wait3A_87, %dma_wait3A_102, %dma_wait3A_103] : memref<2x2x24x512xf32, #tpu.memory_space<vmem>> -> memref<1x1x24x512xf32, #tpu.memory_space<vmem>>
    %dma_wait3A_105 = tpu.memref_squeeze %dma_wait3A_104 : memref<1x1x24x512xf32, #tpu.memory_space<vmem>> -> memref<24x512xf32, #tpu.memory_space<vmem>>
    tpu.wait_dma2 semaphore(%dma_wait3A_98 : memref<!tpu.dma_semaphore, #tpu.memory_space<semaphore_mem>>) src(%dma_wait3A_105 : memref<24x512xf32, #tpu.memory_space<vmem>>) dst(%dma_wait3A_101 : memref<24x512xf32, #tpu.memory_space<hbm>>)
    %dma_wait3A_106 = arith.constant 1 : i32
    %dma_wait3A_107 = arith.constant 1 : i32
    %dma_wait3A_108 = arith.constant 1 : i32
    %dma_wait3A_109 = arith.constant 1 : i32
    %dma_wait3A_110 = arith.constant 0 : i32
    %dma_wait3A_111 = arith.constant 0 : i32
    %dma_wait3A_112 = tpu.memref_slice %arg7[%dma_wait3A_106, %dma_wait3A_107, %dma_wait3A_110, %dma_wait3A_111] : memref<2x2x24x512xf32, #tpu.memory_space<vmem>> -> memref<1x1x24x512xf32, #tpu.memory_space<vmem>>
    %dma_wait3A_113 = tpu.memref_squeeze %dma_wait3A_112 : memref<1x1x24x512xf32, #tpu.memory_space<vmem>> -> memref<24x512xf32, #tpu.memory_space<vmem>>
    %dma_wait3A_114 = arith.constant 0 : i32
    %dma_wait3A_115 = arith.constant 0 : i32
    %dma_wait3A_116 = tpu.memref_slice %arg4[%dma_wait3A_114, %dma_wait3A_115] : memref<24576x512xf32, #tpu.memory_space<hbm>> -> memref<24x512xf32, #tpu.memory_space<hbm>>
    %dma_wait3A_117 = tpu.memref_slice %arg9[%dma_wait3A_108, %dma_wait3A_109] : memref<2x2x!tpu.dma_semaphore, #tpu.memory_space<semaphore_mem>> -> memref<1x1x!tpu.dma_semaphore, #tpu.memory_space<semaphore_mem>>
    %dma_wait3A_118 = tpu.memref_squeeze %dma_wait3A_117 : memref<1x1x!tpu.dma_semaphore, #tpu.memory_space<semaphore_mem>> -> memref<!tpu.dma_semaphore, #tpu.memory_space<semaphore_mem>>
    %dma_wait3A_119 = arith.constant 0 : i32
    %dma_wait3A_120 = arith.constant 0 : i32
    %dma_wait3A_121 = tpu.memref_slice %arg4[%dma_wait3A_119, %dma_wait3A_120] : memref<24576x512xf32, #tpu.memory_space<hbm>> -> memref<24x512xf32, #tpu.memory_space<hbm>>
    %dma_wait3A_122 = arith.constant 0 : i32
    %dma_wait3A_123 = arith.constant 0 : i32
    %dma_wait3A_124 = tpu.memref_slice %arg7[%dma_wait3A_106, %dma_wait3A_107, %dma_wait3A_122, %dma_wait3A_123] : memref<2x2x24x512xf32, #tpu.memory_space<vmem>> -> memref<1x1x24x512xf32, #tpu.memory_space<vmem>>
    %dma_wait3A_125 = tpu.memref_squeeze %dma_wait3A_124 : memref<1x1x24x512xf32, #tpu.memory_space<vmem>> -> memref<24x512xf32, #tpu.memory_space<vmem>>
    tpu.wait_dma2 semaphore(%dma_wait3A_118 : memref<!tpu.dma_semaphore, #tpu.memory_space<semaphore_mem>>) src(%dma_wait3A_125 : memref<24x512xf32, #tpu.memory_space<vmem>>) dst(%dma_wait3A_121 : memref<24x512xf32, #tpu.memory_space<hbm>>)
    return
  }
}

</mosaic_0001>

<sc_bundles>
// kernel: kernel.3.cloned.1.call-start
scs
__scs_entry_jumppad:
0x0: {  	(pc) =	sbr.rel $0x88, $3  }
0x1: {  	(tag) =	ssettag $0x0;
	lr =	simm.s32 $0x1  }
0x2: {  	[smem:$0x3FA0] =	sst lr;
	_ =	strace $0xD0000000  }
0x3: {  	_ = 	snop  }
0x4: {  	_ = 	snop  }
0x5: {  	_ = 	snop  }
0x6: {  	_ = 	snop  }
0x7: {  	_ = 	snop  }
__scs_overlays_trampoline_lowered:
0x8: {  	[smem:$0x3FAF] =	sst s0  }
0x9: {  	[smem:$0x3FB0] =	sst s1  }
0xa: {  	[smem:$0x3FB1] =	sst s2  }
0xb: {  	[smem:$0x3FB2] =	sst s3  }
0xc: {  	[smem:$0x3FB3] =	sst s4  }
0xd: {  	[smem:$0x3FB4] =	sst s5  }
0xe: {  	[smem:$0x3FB5] =	sst s6  }
0xf: {  	[smem:$0x3FB6] =	sst s7  }
0x10: {  	[smem:$0x3FB7] =	sst s8  }
0x11: {  	[smem:$0x3FB8] =	sst s9;
	s0 =	simm.s32 @!p0 $0x0  }
0x12: {  	s1 =	sld [smem:$0x3F9E];
	s0 =	simm.s32 @p0 $0x1  }
0x13: {  	[smem:$0x3FB9] =	sst s0;
	s0 =	simm.s32 @!p1 $0x0  }
0x14: {  	s2 =	sld [smem:$0x3F9D];
	s0 =	simm.s32 @p1 $0x1  }
0x15: {  	[smem:$0x3FBA] =	sst s0;
	s0 =	simm.s32 @!p2 $0x0  }
0x16: {  	s3 =	sld [smem:$0x3FDB];
	s0 =	simm.s32 @p2 $0x1  }
0x17: {  	s4 =	simm.s32 $0x1BF5;
	[smem:$0x3FBC] =	sst s0  }
0x18: {  	s0 =	sld [smem:$0x3F9F];
	_ =	swait.ge [sflag:s4], $0x0  }
0x19: {  	s7 =	sld [smem:$0x3FA0]  }
0x1a: {  	s8 =	sadd.s32 $0xFFFFE003, lr  }
0x1b: {  	s9 =	sadd.s32 $0xFFFFFEF7, lr;
	s5 =	simm.s32 $0xFFFFFFFF;
	p2 =	slt.u32 s8, $0xFFFFF086  }
0x1c: {  	p1 =	slt.u32 s9, $0xF7A;
	s5 =	simm.s32 @!p2 $0x0  }
0x1d: {  	s5 =	simm.s32 @p1 $0x1;
	p0 =	seq.s32 s7, s2  }
0x1e: {  	s7 =	smul.u32 @!p0 $0xF7A, s2;
	p2 =	seq.s32 @!p0 s5, $0x0  }
0x1f: {  	s9 =	smul.u32 $0xF7A, s1;
	s8 =	simm.s32 @!p0 $0x1BF5;
	p2 =	por !p2, p0  }
0x20: {  	[sflag:s8] =	ssyncset.s32 @!p0 $0xFFFFF086;
	s6 =	sadd.s32 @!p0 s3, s7;
	s7 =	simm.s32 @!p0 $0x108  }
0x21: {  	s3 =	sadd.s32 s3, s9;
	s6 =	sadd.s32 @!p0 $0x88, s6;
	s7 =	simm.s32 @p2 $0x1082  }
0x22: {  	[simem:s7], [sflag:s8] =	dma.local @!p0 [hbm:s6], $0xF7A  }
0x23: {  	s9 =	sor.u32 $0xD0000000, s2;
	s6 =	simm.s32 $0x108;
	_ =	swait.ge @!p0 [sflag:s8], $0x0  }
0x24: {  	s3 =	sadd.s32 $0x88, s3;
	s6 =	simm.s32 @!p1 $0x1082;
	[sflag:s4] =	ssyncset.s32 $0xFFFFF086  }
0x25: {  	[simem:s6], [sflag:s4] =	dma.local [hbm:s3], $0xF7A  }
0x26: {  	[smem:$0x3FA0] =	sst s1;
	(tag) =	ssettag s2;
	_ =	strace s9  }
0x27: {  	s1 =	sld [smem:$0x3FB0]  }
0x28: {  	s2 =	sld [smem:$0x3FB1]  }
0x29: {  	s4 =	sld [smem:$0x3FB3]  }
0x2a: {  	p0 =	seq.s32 s5, $0x0;
	s5 =	sld [smem:$0x3FB4]  }
0x2b: {  	s6 =	sld [smem:$0x3FB5]  }
0x2c: {  	s7 =	sld [smem:$0x3FB6]  }
0x2d: {  	s3 =	simm.s32 $0x108;
	s8 =	sld [smem:$0x3FB7]  }
0x2e: {  	s3 =	simm.s32 @!p0 $0x1082;
	s9 =	sld [smem:$0x3FB8]  }
0x2f: {  	lr =	sadd.s32 s0, s3;
	s0 =	sld [smem:$0x3FAF]  }
0x30: {  	s3 =	sld [smem:$0x3FB2]  }
0x31: {  	[smem:$0x3FBB] =	sst s10  }
0x32: {  	s10 =	sld [smem:$0x3FB9];
	_ =	sdelay $0x3  }
0x33: {  	p0 =	seq.s32 s10, $0x1;
	s10 =	sld [smem:$0x3FBB];
	_ =	sdelay $0x3  }
0x34: {  	[smem:$0x3FBB] =	sst s10  }
0x35: {  	s10 =	sld [smem:$0x3FBA];
	_ =	sdelay $0x3  }
0x36: {  	p1 =	seq.s32 s10, $0x1;
	s10 =	sld [smem:$0x3FBB];
	_ =	sdelay $0x3  }
0x37: {  	[smem:$0x3FBB] =	sst s10  }
0x38: {  	s10 =	sld [smem:$0x3FBC]  }
0x39: {  	_ = 	snop;
	(pc) =	sbr.ind lr, $3  }
0x3a: {  	_ = 	snop  }
0x3b: {  	_ = 	snop  }
0x3c: {  	p2 =	seq.s32 s10, $0x1;
	s10 =	sld [smem:$0x3FBB]  }
0x3d: {  	_ =	shalt  }
0x3e: {  	_ =	shalt  }
0x3f: {  	_ =	shalt  }
0x40: {  	_ =	shalt  }
0x41: {  	_ =	shalt  }
0x42: {  	_ =	shalt  }
0x43: {  	_ =	shalt  }
0x44: {  	_ =	shalt  }
0x45: {  	_ =	shalt  }
0x46: {  	_ =	shalt  }
0x47: {  	_ =	shalt  }
0x48: {  	_ =	shalt  }
0x49: {  	_ =	shalt  }
0x4a: {  	_ =	shalt  }
0x4b: {  	_ =	shalt  }
0x4c: {  	_ =	shalt  }
0x4d: {  	_ =	shalt  }
0x4e: {  	_ =	shalt  }
0x4f: {  	_ =	shalt  }
0x50: {  	_ =	shalt  }
0x51: {  	_ =	shalt  }
0x52: {  	_ =	shalt  }
0x53: {  	_ =	shalt  }
0x54: {  	_ =	shalt  }
0x55: {  	_ =	shalt  }
0x56: {  	_ =	shalt  }
0x57: {  	_ =	shalt  }
0x58: {  	_ =	shalt  }
0x59: {  	_ =	shalt  }
0x5a: {  	_ =	shalt  }
0x5b: {  	_ =	shalt  }
0x5c: {  	_ =	shalt  }
0x5d: {  	_ =	shalt  }
0x5e: {  	_ =	shalt  }
0x5f: {  	_ =	shalt  }
0x60: {  	_ =	shalt  }
0x61: {  	_ =	shalt  }
0x62: {  	_ =	shalt  }
0x63: {  	_ =	shalt  }
0x64: {  	_ =	shalt  }
0x65: {  	_ =	shalt  }
0x66: {  	_ =	shalt  }
0x67: {  	_ =	shalt  }
0x68: {  	_ =	shalt  }
0x69: {  	_ =	shalt  }
0x6a: {  	_ =	shalt  }
0x6b: {  	_ =	shalt  }
0x6c: {  	_ =	shalt  }
0x6d: {  	_ =	shalt  }
0x6e: {  	_ =	shalt  }
0x6f: {  	_ =	shalt  }
0x70: {  	_ =	shalt  }
0x71: {  	_ =	shalt  }
0x72: {  	_ =	shalt  }
0x73: {  	_ =	shalt  }
0x74: {  	_ =	shalt  }
0x75: {  	_ =	shalt  }
0x76: {  	_ =	shalt  }
0x77: {  	_ =	shalt  }
0x78: {  	_ =	shalt  }
0x79: {  	_ =	shalt  }
0x7a: {  	_ =	shalt  }
0x7b: {  	_ =	shalt  }
0x7c: {  	_ =	shalt  }
0x7d: {  	_ =	shalt  }
0x7e: {  	_ =	shalt  }
0x7f: {  	_ =	shalt  }
0x80: {  	_ =	shalt  }
0x81: {  	_ =	shalt  }
0x82: {  	_ =	shalt  }
0x83: {  	_ =	shalt  }
0x84: {  	_ =	shalt  }
0x85: {  	_ =	shalt  }
0x86: {  	_ =	shalt  }
0x87: {  	_ =	shalt  }
.Lfunc_end0:
.L_simem_size_0:
called_computation_lowered:
.L_overlay_start_0:
0x88: {  	s2 =	sld [smem:$0x3FD9]  }
0x89: {  	s3 =	sld [smem:$0x3FFE];
	_ =	sdelay $0x1  }
0x8a: {  	s1 =	srdreg.scid  }
0x8b: {  	s0 =	sand.u32 $0x1, s1  }
0x8c: {  	s17 =	sshll.u32 s0, $0xA;
	s2 =	sadd.s32 s3, s2  }
0x8d: {  	s2 =	sadd.s32 s2, s17  }
0x8e: {  	[smem:$0x3FC7] =	sst s2  }
0x8f: {  	_ = 	snop  }
0x90: {  	s2 =	sld [smem:$0x3FC9]  }
0x91: {  	s18 =	sld [smem:$0x3FD0];
	(tm) =	ssettm $0x1  }
0x92: {  	s4 =	sld [smem:$0x3FFB];
	_ =	sdelay $0x3  }
0x93: {  	_ =	strace s4  }
0x94: {  	s4 =	sld [smem:$0x3FFC];
	_ =	sdelay $0x3  }
0x95: {  	_ =	strace s4  }
0x96: {  	s4 =	sld [smem:$0x3FFD];
	_ =	sdelay $0x3  }
0x97: {  	_ =	strace s4  }
0x98: {  	_ =	strace $0x8FFFFFFF  }
0x99: {  	s19 =	sld [smem:$0x3FDB];
	_ =	sdelay $0x1  }
0x9a: {  	s5 =	simm.s32 $_scs_section_size  }
0x9b: {  	s6 =	simm.s32 $_size__tile_overlayer_lowered;
	s7 =	simm.s32 $_tile_overlayer_lowered  }
0x9c: {  	s22 =	simm.s32 $0x1BFF;
	s21 =	sshll.u32 s7, $0x1;
	s4 =	sadd.s32 s5, s19  }
0x9d: {  	s8 =	simm.s32 $0x0;
	s20 =	sshll.u32 s6, $0x1;
	s6 =	sadd.s32 s21, s4  }
0x9e: {  	[timem:s8], [sflag:s22] =	dma.local [hbm:s6], s20  }
0x9f: {  	_ =	swait.ge [sflag:s22], s20  }
0xa0: {  	s5 =	ssub.s32 $0x0, s20;
	[sflag:s22] =	ssyncset.done $0x0  }
0xa1: {  	[sflag:s22] =	ssyncadd.s32 s5;
	_ =	sdelay $0x1  }
0xa2: {  	s23 =	simm.s32 $0x1B8B  }
0xa3: {  	_ =	swait.ge [sflag:s23], $0x1  }
0xa4: {  	[sflag:s23] =	ssyncset.done $0x0  }
0xa5: {  	s25 =	simm.s32 $0x1B8E;
	s24 =	sld [smem:$0x3FFE];
	[sflag:s23] =	ssyncadd.s32 $0xFFFFFFFF  }
0xa6: {  	s26 =	simm.s32 $execute0_lowered;
	[smem:$0x3FD2] =	sst s25  }
0xa7: {  	s6 =	sshll.u32 s26, $0x1;
	_ =	strace $0x80000046;
	[dreg:$0x1] =	wrdreg $0xFFFFFFFF  }
0xa8: {  	s28 =	simm.s32 $_size_execute0_lowered;
	s4 =	sadd.s32 s4, s6;
	[dreg:$0x0] =	wrdreg $0x0  }
0xa9: {  	s6 =	sshll.u32 s28, $0x1;
	[dreg:$0x2] =	wrdreg s4  }
0xaa: {  	[dreg:$0x3] =	wrdreg s6  }
0xab: {  	[dreg:$0x4] =	wrdreg $0xC0  }
0xac: {  	_ =	task [dreg:s8], $0x5FFFF  }
0xad: {  	[dreg:$0x1] =	wrdreg $0xFFFFFFFF  }
0xae: {  	[dreg:$0x0] =	wrdreg $0x60  }
0xaf: {  	[dreg:$0x2] =	wrdreg s2  }
0xb0: {  	[dreg:$0x3] =	wrdreg s24  }
0xb1: {  	[dreg:$0x4] =	wrdreg s18  }
0xb2: {  	[dreg:$0x5] =	wrdreg $0x9  }
0xb3: {  	_ =	task.clear_ibuf [dreg:s8], $0x6FFFF;
	_ =	strace $0x90000046  }
0xb4: {  	s29 =	simm.s32 $0x9;
	_ =	strace $0x80000048  }
0xb5: {  	_ =	swait.ge [sflag:s29], $0x1  }
0xb6: {  	[sflag:s29] =	ssyncadd.s32 $0xFFFFFFFF  }
0xb7: {  	_ =	strace $0x90000048  }
0xb8: {  	_ =	sfence  }
0xb9: {  	s30 =	sld [smem:$0x0];
	_ =	sdelay $0x2  }
0xba: {  	s31 =	sshll.u32 s1, $0xD;
	s1 =	sshrl.u32 s1, $0x2  }
0xbb: {  	s3 =	sand.u32 $0x4000, s31;
	s1 =	sadd.s32 s1, s30  }
0xbc: {  	s0 =	sor.u32 s3, s0;
	s1 =	sshll.u32 s1, $0x11  }
0xbd: {  	s0 =	sor.u32 s1, s0  }
0xbe: {  	s0 =	sadd.s32 $0x8F2B, s0  }
0xbf: {  	[sflag:s0] =	ssyncadd.remote.s32 $0x1  }
0xc0: {  	_ =	sfence.sel $0xFFFF  }
0xc1: {  	[dreg:$0x0] =	wrdreg $0xFFFFFFFF;
	(pc) =	sbr.abs _section_cstart, $3  }
0xc2: {  	[dreg:$0x1] =	wrdreg $0xFFFFFFFF  }
0xc3: {  	_ =	task.clear_ibuf [dreg:s8], $0x2FFFF;
	_ =	strace $0x9FFFFFFF  }
0xc4: {  	(tm) =	ssettm $0x7FFFFFFF  }
0xc5: {  	_ =	shalt  }
tec
execute0_lowered:
.L_overlay_start_1:
0x0: {  	(tag) =	ssettag $0x1  }
0x1: {  	s0 =	rddreg [dreg:$0x0]  }
0x2: {  	s1 =	rddreg [dreg:$0x1]  }
0x3: {  	s3 =	srdreg.scid;
	s5 =	stileid.u32  }
0x4: {  	s2 =	rddreg [dreg:$0x2];
	s10 =	simm.s32 $0x7;
	s12 =	simm.s32 $0x6400  }
0x5: {  	s13 =	simm.s32 $0x3;
	s14 =	simm.s32 $0x4;
	s15 =	simm.s32 $0x5  }
0x6: {  	s16 =	simm.s32 $0x6;
	s4 =	sand.u32 $0x1, s3;
	s5 =	sshll.u32 s5, $0x1  }
0x7: {  	s17 =	simm.s32 $0x0;
	s3 =	simm.s32 $0x0;
	s6 =	sor.u32 s4, s5  }
0x8: {  	[smem:$0x7FF] =	sst s3;
	s30 =	ssub.s32 $0x2, s4;
	s7 =	smul.u32 $0xC000, s6  }
0x9: {  	s4 =	sadd.s32 $0x400, s1;
	_ =	strace $0x80000047;
	s8 =	sshrl.u32 s30, $0x1  }
0xa: {  	s6 =	smul.u32 $0x30, s6;
	s31 =	ssub.s32 s30, s8;
	s5 =	sadd.s32 s0, s7  }
0xb: {  	s8 =	sadd.s32 $0x1800, s0;
	s9 =	smax.u32 s31, $0x1;
	s7 =	sadd.s32 $0xC00, s5  }
.LBB2_1:
0xc: {  	[tilespmem:s3], [sflag:$0x7] =	stream.linear.gather [hbm4b:s4+s3], $0x400, $0x38;
	[tilespmem:$0x18400] =	vst v63  }
0xd: {  	_ =	swait.ge [sflag:s10], $0x400  }
0xe: {  	[sflag:s10] =	ssyncset.done $0x0  }
0xf: {  	s0 =	simm.s32 $0x400;
	[sflag:s10] =	ssyncadd.s32 $0xFFFFFC00  }
0x10: {  	[tilespmem:s0], [sflag:$0x1] =	stream.linear.gather [hbm4b:s5+s3], $0x6000, $0x38;
	[tilespmem:$0x18400] =	vst v63  }
0x11: {  	s18 =	simm.s32 $0x0  }
0x12: {  	[tilespmem:s12], [sflag:$0x2] =	stream.linear.gather [hbm4b:s7+s3], $0x6000, $0x38;
	[tilespmem:$0x18400] =	vst v63  }
.LBB2_2:
0x13: {  	s20 =	sand.u32 $0x1, s18  }
0x14: {  	s19 =	sadd.s32 $0x1, s20  }
0x15: {  	p0 =	slt.u32 s18, $0x2;
	_ =	swait.ge [sflag:s19], $0x6000  }
0x16: {  	s0 =	sshll.u32 @!p0 s20, $0x1;
	[sflag:s19] =	ssyncset.done $0x0  }
0x17: {  	s1 =	sadd.s32 @!p0 $0x3, s0;
	[sflag:s19] =	ssyncadd.s32 $0xFFFFA000  }
0x18: {  	_ =	swait.ge @!p0 [sflag:s1], $0x3000  }
0x19: {  	[sflag:s1] =	ssyncset.done @!p0 $0x0  }
0x1a: {  	s0 =	sor.u32 @!p0 $0x4, s0;
	[sflag:s1] =	ssyncadd.s32 @!p0 $0xFFFFD000  }
0x1b: {  	_ =	swait.ge @!p0 [sflag:s0], $0x3000  }
0x1c: {  	[sflag:s0] =	ssyncset.done @!p0 $0x0  }
0x1d: {  	s26 =	simm.s32 $0x40;
	[sflag:s0] =	ssyncadd.s32 @!p0 $0xFFFFD000  }
0x1e: {  	v0 =	vld [tilespmem:s26+$0x30]  }
0x1f: {  	v1 =	vld [tilespmem:s26+$0xFFFFFFC0];
	_ =	sdelay $0x3  }
0x20: {  	v2 =	vshll.u32 v0, $0x3  }
0x21: {  	v3 =	vld [tilespmem:s26+$0xFFFFFFD0];
	v0 =	vand.u32 $0x7F, v0;
	v13 =	vshll.u32 v1, $0x3;
	v2 =	vand.u32 $0xFFFFFC00, v2  }
0x22: {  	v4 =	vld [tilespmem:s26+$0xFFFFFFE0];
	v1 =	vand.u32 $0x7F, v1;
	v13 =	vand.u32 $0xFFFFFC00, v13;
	v5 =	vor.u32 v0, v2  }
0x23: {  	v6 =	vld [tilespmem:s26+$0xFFFFFFF0];
	v1 =	vor.u32 v1, v13  }
0x24: {  	s22 =	smul.u32 $0x6000, s20;
	v8 =	vld [tilespmem:s26+$0x0];
	v7 =	vor.u32 $0x380, v5  }
0x25: {  	v10 =	vld [tilespmem:s26+$0x10];
	v9 =	vor.u32 $0x80, v5  }
0x26: {  	s21 =	sor.u32 $0x400, s22;
	v2 =	vld [tilespmem:s26+$0x20];
	v11 =	vor.u32 $0x100, v5  }
0x27: {  	v12 =	vor.u32 $0x180, v5;
	v29 =	vld.idx.msk [tilespmem:v5+s21+$0x0], $0xffff  }
0x28: {  	v17 =	vor.u32 $0x200, v5;
	v20 =	vld.idx.msk [tilespmem:v1+s21+$0x0], $0xffff  }
0x29: {  	v18 =	vor.u32 $0x280, v5;
	v7 =	vld.idx.msk [tilespmem:v7+s21+$0x0], $0xffff  }
0x2a: {  	v15 =	vshll.u32 v3, $0x3;
	v13 =	vor.u32 $0x280, v1;
	v14 =	vld.idx.msk [tilespmem:v9+s21+$0x0], $0xffff  }
0x2b: {  	v22 =	vor.u32 $0x300, v1;
	v9 =	vand.u32 $0xFFFFFC00, v15;
	v15 =	vld.idx.msk [tilespmem:v11+s21+$0x0], $0xffff  }
0x2c: {  	v5 =	vor.u32 $0x300, v5;
	v16 =	vld.idx.msk [tilespmem:v12+s21+$0x0], $0xffff  }
0x2d: {  	v17 =	vld.idx.msk [tilespmem:v17+s21+$0x0], $0xffff;
	v11 =	vor.u32 $0x100, v1  }
0x2e: {  	v3 =	vand.u32 $0x7F, v3;
	v18 =	vld.idx.msk [tilespmem:v18+s21+$0x0], $0xffff;
	v12 =	vor.u32 $0x180, v1  }
0x2f: {  	v13 =	vld.idx.msk [tilespmem:v13+s21+$0x0], $0xffff;
	v3 =	vor.u32 v3, v9  }
0x30: {  	v34 =	vld.idx.msk [tilespmem:v22+s21+$0x0], $0xffff;
	v9 =	vor.u32 $0x80, v1  }
0x31: {  	v23 =	vor.u32 $0x80, v3;
	v19 =	vld.idx.msk [tilespmem:v5+s21+$0x0], $0xffff  }
0x32: {  	v5 =	vor.u32 $0x200, v1;
	v11 =	vld.idx.msk [tilespmem:v11+s21+$0x0], $0xffff  }
0x33: {  	v1 =	vor.u32 $0x380, v1;
	v12 =	vld.idx.msk [tilespmem:v12+s21+$0x0], $0xffff  }
0x34: {  	v24 =	vor.u32 $0x100, v3;
	v21 =	vld.idx.msk [tilespmem:v3+s21+$0x0], $0xffff  }
0x35: {  	v26 =	vor.u32 $0x200, v3;
	v9 =	vld.idx.msk [tilespmem:v9+s21+$0x0], $0xffff  }
0x36: {  	v28 =	vor.u32 $0x280, v3;
	v0 =	vld.idx.msk [tilespmem:v23+s21+$0x0], $0xffff  }
0x37: {  	v27 =	vshll.u32 v4, $0x3;
	v25 =	vld.idx.msk [tilespmem:v5+s21+$0x0], $0xffff;
	v5 =	vor.u32 $0x180, v3  }
0x38: {  	v4 =	vand.u32 $0x7F, v4;
	v35 =	vld.idx.msk [tilespmem:v1+s21+$0x0], $0xffff;
	v1 =	vand.u32 $0xFFFFFC00, v27;
	v27 =	vor.u32 $0x300, v3  }
0x39: {  	v37 =	vld.idx.msk [tilespmem:v24+s21+$0x0], $0xffff;
	v3 =	vor.u32 $0x380, v3;
	v1 =	vor.u32 v4, v1  }
0x3a: {  	v45 =	vld.idx.msk [tilespmem:v26+s21+$0x0], $0xffff;
	v4 =	vor.u32 $0x80, v1  }
0x3b: {  	v46 =	vld.idx.msk [tilespmem:v28+s21+$0x0], $0xffff;
	v23 =	vor.u32 $0x180, v1  }
0x3c: {  	v28 =	vor.u32 $0x200, v1;
	v39 =	vld.idx.msk [tilespmem:v5+s21+$0x0], $0xffff  }
0x3d: {  	v31 =	vor.u32 $0x280, v1;
	v47 =	vld.idx.msk [tilespmem:v27+s21+$0x0], $0xffff  }
0x3e: {  	v26 =	vshll.u32 v6, $0x3;
	v5 =	vor.u32 $0x100, v1;
	v48 =	vld.idx.msk [tilespmem:v3+s21+$0x0], $0xffff  }
0x3f: {  	v6 =	vand.u32 $0x7F, v6;
	v30 =	vor.u32 $0x300, v1;
	v3 =	vand.u32 $0xFFFFFC00, v26;
	v26 =	vld.idx.msk [tilespmem:v4+s21+$0x0], $0xffff  }
0x40: {  	v3 =	vor.u32 v6, v3;
	v4 =	vor.u32 $0x380, v1;
	v24 =	vld.idx.msk [tilespmem:v23+s21+$0x0], $0xffff  }
0x41: {  	v6 =	vor.u32 $0x100, v3;
	v56 =	vld.idx.msk [tilespmem:v28+s21+$0x0], $0xffff  }
0x42: {  	v23 =	vor.u32 $0x180, v3;
	v57 =	vld.idx.msk [tilespmem:v31+s21+$0x0], $0xffff  }
0x43: {  	v27 =	vld.idx.msk [tilespmem:v5+s21+$0x0], $0xffff;
	v5 =	vor.u32 $0x80, v3  }
0x44: {  	v28 =	vor.u32 $0x200, v3;
	v36 =	vld.idx.msk [tilespmem:v30+s21+$0x0], $0xffff;
	v30 =	vshll.u32 v8, $0x3  }
0x45: {  	s23 =	simm.s32 $0x0;
	v33 =	vor.u32 $0x280, v3;
	v8 =	vand.u32 $0x7F, v8;
	v60 =	vld.idx.msk [tilespmem:v4+s21+$0x0], $0xffff;
	v4 =	vand.u32 $0xFFFFFC00, v30  }
0x46: {  	s0 =	smul.u32 $0xC000, s23;
	v30 =	vor.u32 $0x300, v3;
	v32 =	vld.idx.msk [tilespmem:v6+s21+$0x0], $0xffff;
	v4 =	vor.u32 v8, v4  }
0x47: {  	v31 =	vld.idx.msk [tilespmem:v23+s21+$0x0], $0xffff;
	v6 =	vor.u32 $0x80, v4  }
0x48: {  	s25 =	simm.s32 $0x0;
	s23 =	sadd.s32 $0xC400, s22;
	s0 =	sshra.s32 s0, $0x2;
	v22 =	vld.idx.msk [tilespmem:v5+s21+$0x0], $0xffff;
	v5 =	vor.u32 $0x380, v3  }
0x49: {  	s28 =	sand.u32 $0xC00, s25;
	s0 =	sadd.s32 s0, s23;
	v59 =	vld.idx.msk [tilespmem:v28+s21+$0x0], $0xffff;
	v8 =	vor.u32 $0x100, v4  }
0x4a: {  	s29 =	sadd.s32 s28, s0;
	v58 =	vld.idx.msk [tilespmem:v33+s21+$0x0], $0xffff;
	v23 =	vor.u32 $0x180, v4  }
0x4b: {  	[tilespmem:s29+$0x3F0] =	vst v7;
	v7 =	vor.u32 $0x200, v4;
	v61 =	vld.idx.msk [tilespmem:v30+s21+$0x0], $0xffff  }
0x4c: {  	[tilespmem:s29+$0x80] =	vst v9;
	v28 =	vshll.u32 v10, $0x3;
	v9 =	vor.u32 $0x280, v4;
	v62 =	vld.idx.msk [tilespmem:v6+s21+$0x0], $0xffff  }
0x4d: {  	[tilespmem:s29+$0xF0] =	vst v14;
	v10 =	vand.u32 $0x7F, v10;
	v49 =	vor.u32 $0x300, v4;
	v41 =	vld.idx.msk [tilespmem:v5+s21+$0x0], $0xffff;
	v5 =	vand.u32 $0xFFFFFC00, v28  }
0x4e: {  	[tilespmem:s29+$0x170] =	vst v15;
	v6 =	vld.idx.msk [tilespmem:v8+s21+$0x0], $0xffff;
	v5 =	vor.u32 v10, v5;
	v10 =	vor.u32 $0x380, v4  }
0x4f: {  	[tilespmem:s29+$0x200] =	vst v25;
	v25 =	vld.idx.msk [tilespmem:v23+s21+$0x0], $0xffff;
	v8 =	vor.u32 $0x80, v5  }
0x50: {  	[tilespmem:s29+$0x100] =	vst v11;
	v23 =	vld.idx.msk [tilespmem:v7+s21+$0x0], $0xffff;
	v11 =	vor.u32 $0x100, v5  }
0x51: {  	[tilespmem:s29+$0x180] =	vst v12;
	v40 =	vld.idx.msk [tilespmem:v9+s21+$0x0], $0xffff;
	v12 =	vor.u32 $0x180, v5  }
0x52: {  	[tilespmem:s29+$0x280] =	vst v13;
	v7 =	vld.idx.msk [tilespmem:v49+s21+$0x0], $0xffff;
	v13 =	vor.u32 $0x200, v5  }
0x53: {  	[tilespmem:s29+$0x1F0] =	vst v16;
	v9 =	vshll.u32 v2, $0x3;
	v49 =	vor.u32 $0x280, v5;
	v10 =	vld.idx.msk [tilespmem:v10+s21+$0x0], $0xffff  }
0x54: {  	[tilespmem:s29+$0x90] =	vst v0;
	v2 =	vand.u32 $0x7F, v2;
	v9 =	vand.u32 $0xFFFFFC00, v9;
	v0 =	vor.u32 $0x300, v5;
	v8 =	vld.idx.msk [tilespmem:v8+s21+$0x0], $0xffff  }
0x55: {  	[tilespmem:s29+$0x270] =	vst v17;
	v2 =	vor.u32 v2, v9;
	v50 =	vor.u32 $0x380, v5;
	v9 =	vld.idx.msk [tilespmem:v11+s21+$0x0], $0xffff  }
0x56: {  	[tilespmem:s29+$0x2F0] =	vst v18;
	v51 =	vor.u32 $0x80, v2;
	v11 =	vld.idx.msk [tilespmem:v12+s21+$0x0], $0xffff  }
0x57: {  	[tilespmem:s29+$0x300] =	vst v34;
	v52 =	vor.u32 $0x100, v2;
	v12 =	vld.idx.msk [tilespmem:v13+s21+$0x0], $0xffff  }
0x58: {  	[tilespmem:s29+$0x370] =	vst v19;
	v53 =	vor.u32 $0x180, v2;
	v13 =	vld.idx.msk [tilespmem:v49+s21+$0x0], $0xffff  }
0x59: {  	[tilespmem:s29+$0x0] =	vst v20;
	v54 =	vor.u32 $0x200, v2;
	v28 =	vld.idx.msk [tilespmem:v0+s21+$0x0], $0xffff  }
0x5a: {  	[tilespmem:s29+$0x380] =	vst v35;
	v55 =	vor.u32 $0x300, v2;
	v14 =	vld.idx.msk [tilespmem:v50+s21+$0x0], $0xffff  }
0x5b: {  	[tilespmem:s29+$0x110] =	vst v37;
	v63 =	vor.u32 $0x380, v2;
	v15 =	vld.idx.msk [tilespmem:v51+s21+$0x0], $0xffff  }
0x5c: {  	[tilespmem:s29+$0x210] =	vst v45;
	v0 =	vor.u32 $0x280, v2;
	v16 =	vld.idx.msk [tilespmem:v52+s21+$0x0], $0xffff  }
0x5d: {  	[tilespmem:s29+$0x290] =	vst v46;
	v17 =	vld.idx.msk [tilespmem:v53+s21+$0x0], $0xffff  }
0x5e: {  	[tilespmem:s29+$0x10] =	vst v21;
	v18 =	vld.idx.msk [tilespmem:v54+s21+$0x0], $0xffff  }
0x5f: {  	s24 =	smul.u32 $0x3, s18;
	[tilespmem:s29+$0x190] =	vst v39;
	v20 =	vld.idx.msk [tilespmem:v55+s21+$0x0], $0xffff  }
0x60: {  	s30 =	simm.s32 $0x0;
	[tilespmem:s29+$0x310] =	vst v47;
	v21 =	vld.idx.msk [tilespmem:v63+s21+$0x0], $0xffff  }
0x61: {  	s31 =	simm.s32 $0xC0;
	s24 =	sadd.s32 s6, s24;
	s1 =	simm.s32 $0x0;
	[tilespmem:s29+$0x390] =	vst v48;
	v19 =	vld.idx.msk [tilespmem:v0+s21+$0x0], $0xffff  }
.LBB2_3:
0x62: {  	v35 =	vld [tilespmem:s31+$0x30]  }
0x63: {  	v47 =	vld [tilespmem:s31+$0xFFFFFFE0]  }
0x64: {  	v48 =	vld [tilespmem:s31+$0xFFFFFFF0]  }
0x65: {  	v49 =	vld [tilespmem:s31+$0x0]  }
0x66: {  	v50 =	vld [tilespmem:s31+$0x10]  }
0x67: {  	v1 =	vld.idx.msk [tilespmem:v1+s21+$0x0], $0xffff  }
0x68: {  	v3 =	vld.idx.msk [tilespmem:v3+s21+$0x0], $0xffff;
	v0 =	vshll.u32 v35, $0x3  }
0x69: {  	v4 =	vld.idx.msk [tilespmem:v4+s21+$0x0], $0xffff;
	v35 =	vand.u32 $0x7F, v35;
	v0 =	vand.u32 $0xFFFFFC00, v0  }
0x6a: {  	v5 =	vld.idx.msk [tilespmem:v5+s21+$0x0], $0xffff;
	v53 =	vor.u32 v35, v0  }
0x6b: {  	[tilespmem:s29+$0x70] =	vst v29;
	v0 =	vshll.u32 v47, $0x3  }
0x6c: {  	[tilespmem:$0x1FFA0] =	vst v1;
	v1 =	vand.u32 $0xFFFFFC00, v0;
	v0 =	vshll.u32 v48, $0x3  }
0x6d: {  	[tilespmem:$0x1FFC0] =	vst v3;
	v3 =	vand.u32 $0xFFFFFC00, v0;
	v0 =	vshll.u32 v49, $0x3  }
0x6e: {  	[tilespmem:$0x1FFD0] =	vst v4;
	v4 =	vand.u32 $0xFFFFFC00, v0;
	v0 =	vshll.u32 v50, $0x3  }
0x6f: {  	[tilespmem:$0x1FFE0] =	vst v5;
	v43 =	vor.u32 $0x80, v53;
	v5 =	vand.u32 $0xFFFFFC00, v0;
	v0 =	vld.idx.msk [tilespmem:v53+s21+$0x0], $0xffff;
	_ =	sdelay $0x4  }
0x70: {  	v44 =	vor.u32 $0x100, v53;
	[tilespmem:$0x1FFB0] =	vst v0;
	v0 =	vld.idx.msk [tilespmem:v43+s21+$0x0], $0xffff;
	_ =	sdelay $0x4  }
0x71: {  	v42 =	vor.u32 $0x180, v53;
	[tilespmem:$0x1FF30] =	vst v0;
	v0 =	vld.idx.msk [tilespmem:v44+s21+$0x0], $0xffff;
	_ =	sdelay $0x3  }
0x72: {  	[tilespmem:s29+$0x220] =	vst v56  }
0x73: {  	v56 =	vor.u32 $0x200, v53;
	[tilespmem:$0x1FF40] =	vst v0;
	v0 =	vld.idx.msk [tilespmem:v42+s21+$0x0], $0xffff;
	_ =	sdelay $0x1  }
0x74: {  	v45 =	vld [tilespmem:s31+$0xFFFFFFC0]  }
0x75: {  	v52 =	vld [tilespmem:s31+$0x20]  }
0x76: {  	[tilespmem:s29+$0x2A0] =	vst v57  }
0x77: {  	v57 =	vor.u32 $0x280, v53;
	[tilespmem:$0x1FF50] =	vst v0;
	v0 =	vld.idx.msk [tilespmem:v56+s21+$0x0], $0xffff  }
0x78: {  	v46 =	vld [tilespmem:s31+$0xFFFFFFD0]  }
0x79: {  	[tilespmem:$0x1FF20] =	vst v28  }
0x7a: {  	[tilespmem:s29+$0xA0] =	vst v26;
	v37 =	vshll.u32 v45, $0x3;
	v34 =	vshll.u32 v52, $0x3  }
0x7b: {  	[tilespmem:s29+$0x120] =	vst v27;
	v38 =	vand.u32 $0x7F, v45;
	v51 =	vand.u32 $0xFFFFFC00, v37;
	v55 =	vor.u32 $0x380, v53  }
0x7c: {  	v35 =	vmovc v40;
	v40 =	vand.u32 $0xFFFFFC00, v34;
	v34 =	vor.u32 v38, v51;
	v53 =	vor.u32 $0x300, v53;
	[tilespmem:$0x1FF60] =	vst v0;
	v0 =	vld.idx.msk [tilespmem:v57+s21+$0x0], $0xffff  }
0x7d: {  	[tilespmem:s29+$0x130] =	vst v32;
	v33 =	vshll.u32 v46, $0x3;
	v32 =	vor.u32 $0x80, v34  }
0x7e: {  	[tilespmem:s29+$0x1B0] =	vst v31;
	v63 =	vand.u32 $0x7F, v46;
	v54 =	vand.u32 $0xFFFFFC00, v33;
	v31 =	vor.u32 $0x100, v34  }
0x7f: {  	[tilespmem:s29+$0x320] =	vst v36;
	v36 =	vor.u32 v63, v54;
	v54 =	vand.u32 $0x7F, v52;
	v63 =	vor.u32 $0x180, v34  }
0x80: {  	[tilespmem:s29+$0x3A0] =	vst v60;
	v60 =	vor.u32 v54, v40;
	v40 =	vor.u32 $0x200, v34;
	v55 =	vld.idx.msk [tilespmem:v55+s21+$0x0], $0xffff  }
0x81: {  	[tilespmem:$0x1FF70] =	vst v0;
	v0 =	vld.idx.msk [tilespmem:v53+s21+$0x0], $0xffff  }
0x82: {  	[tilespmem:s29+$0x1A0] =	vst v24;
	v33 =	vand.u32 $0x7F, v48;
	v48 =	vor.u32 $0x380, v34;
	v26 =	vld.idx.msk [tilespmem:v32+s21+$0x0], $0xffff  }
0x83: {  	s30 =	sadd.s32 $0x8, s30;
	[tilespmem:s29+$0xB0] =	vst v22;
	v32 =	vor.u32 $0x380, v36;
	v24 =	vld.idx.msk [tilespmem:v31+s21+$0x0], $0xffff  }
0x84: {  	[tilespmem:s29+$0x230] =	vst v59;
	s0 =	sshrl.u32 s30, $0x5;
	v27 =	vld.idx.msk [tilespmem:v63+s21+$0x0], $0xffff;
	v43 =	vor.u32 $0x300, v34  }
0x85: {  	[tilespmem:s29+$0x2B0] =	vst v58;
	s0 =	smul.u32 $0xC000, s0;
	v28 =	vld.idx.msk [tilespmem:v40+s21+$0x0], $0xffff;
	v42 =	vor.u32 $0x280, v34  }
0x86: {  	[tilespmem:$0x1FF80] =	vst v0;
	v0 =	vld.idx.msk [tilespmem:v2+s21+$0x0], $0xffff  }
0x87: {  	s1 =	sadd.s32 $0x400, s1;
	[tilespmem:s29+$0x330] =	vst v61;
	s0 =	sshra.s32 s0, $0x2;
	v22 =	vld.idx.msk [tilespmem:v48+s21+$0x0], $0xffff  }
0x88: {  	[tilespmem:s29+$0x1C0] =	vst v25;
	s11 =	sand.u32 $0xC00, s1;
	s0 =	sadd.s32 s0, s23;
	v30 =	vor.u32 $0x80, v36;
	v49 =	vand.u32 $0x7F, v49;
	v32 =	vld.idx.msk [tilespmem:v32+s21+$0x0], $0xffff  }
0x89: {  	[tilespmem:s29+$0x240] =	vst v23;
	s0 =	sadd.s32 s11, s0;
	v50 =	vand.u32 $0x7F, v50;
	v4 =	vor.u32 v49, v4;
	v49 =	vor.u32 $0x100, v36;
	v23 =	vld.idx.msk [tilespmem:v43+s21+$0x0], $0xffff  }
0x8a: {  	v5 =	vor.u32 v50, v5;
	v50 =	vor.u32 $0x180, v36;
	v25 =	vld.idx.msk [tilespmem:v42+s21+$0x0], $0xffff;
	[tilespmem:s0+$0x3F0] =	vst v55  }
0x8b: {  	v29 =	vor.u32 $0x200, v36;
	[tilespmem:$0x1FFF0] =	vst v0;
	v0 =	vld.idx.msk [tilespmem:v34+s21+$0x0], $0xffff  }
0x8c: {  	v47 =	vand.u32 $0x7F, v47;
	v54 =	vor.u32 $0x280, v36;
	v53 =	vld.idx.msk [tilespmem:v36+s21+$0x0], $0xffff;
	[tilespmem:s0+$0x80] =	vst v26  }
0x8d: {  	v1 =	vor.u32 v47, v1;
	v55 =	vor.u32 $0x300, v36;
	[tilespmem:s0+$0x100] =	vst v24;
	v24 =	vld.idx.msk [tilespmem:v30+s21+$0x0], $0xffff  }
0x8e: {  	v36 =	vor.u32 $0x80, v1;
	[tilespmem:s0+$0x180] =	vst v27;
	v26 =	vld.idx.msk [tilespmem:v49+s21+$0x0], $0xffff  }
0x8f: {  	v3 =	vor.u32 v33, v3;
	v59 =	vor.u32 $0x300, v1;
	v27 =	vld.idx.msk [tilespmem:v50+s21+$0x0], $0xffff;
	[tilespmem:s0+$0x280] =	vst v25  }
0x90: {  	v25 =	vld.idx.msk [tilespmem:v29+s21+$0x0], $0xffff;
	[tilespmem:$0x1FF90] =	vst v0;
	v0 =	vor.u32 $0x200, v3  }
0x91: {  	[tilespmem:s0+$0x300] =	vst v23;
	v23 =	vld.idx.msk [tilespmem:v54+s21+$0x0], $0xffff  }
0x92: {  	[tilespmem:s0+$0x380] =	vst v22;
	v22 =	vld.idx.msk [tilespmem:v55+s21+$0x0], $0xffff  }
0x93: {  	[tilespmem:s0+$0x110] =	vst v26;
	v26 =	vld.idx.msk [tilespmem:v36+s21+$0x0], $0xffff  }
0x94: {  	[tilespmem:s29+$0x3B0] =	vst v41;
	v36 =	vld.idx.msk [tilespmem:v59+s21+$0x0], $0xffff  }
0x95: {  	v59 =	vld.idx.msk [tilespmem:v0+s21+$0x0], $0xffff  }
0x96: {  	v0 =	vld [tilespmem:$0x1FF20];
	_ =	sdelay $0x4  }
0x97: {  	[tilespmem:s29+$0x350] =	vst v0;
	v0 =	vld [tilespmem:$0x1FF30];
	_ =	sdelay $0x4  }
0x98: {  	[tilespmem:s0+$0xF0] =	vst v0;
	v0 =	vld [tilespmem:$0x1FF40];
	_ =	sdelay $0x4  }
0x99: {  	[tilespmem:s0+$0x170] =	vst v0;
	v0 =	vld [tilespmem:$0x1FF50];
	_ =	sdelay $0x2  }
0x9a: {  	[tilespmem:s29+$0xC0] =	vst v62  }
0x9b: {  	[tilespmem:s29+$0x140] =	vst v6  }
0x9c: {  	[tilespmem:s0+$0x1F0] =	vst v0;
	v0 =	vld [tilespmem:$0x1FF60]  }
0x9d: {  	[tilespmem:s29+$0x340] =	vst v7;
	v41 =	vor.u32 $0x380, v3  }
0x9e: {  	[tilespmem:s29+$0x3C0] =	vst v10;
	v40 =	vor.u32 $0x280, v4  }
0x9f: {  	[tilespmem:s29+$0x2C0] =	vst v35;
	v44 =	vor.u32 $0x300, v4  }
0xa0: {  	v2 =	vmov v60;
	v60 =	vor.u32 $0x380, v1;
	[tilespmem:s29+$0xE0] =	vst v15  }
0xa1: {  	[tilespmem:s0+$0x270] =	vst v0;
	v0 =	vld [tilespmem:$0x1FF70]  }
0xa2: {  	v62 =	vor.u32 $0x100, v3;
	v41 =	vld.idx.msk [tilespmem:v41+s21+$0x0], $0xffff;
	[tilespmem:s29+$0x160] =	vst v16  }
0xa3: {  	v6 =	vor.u32 $0x80, v4;
	v40 =	vld.idx.msk [tilespmem:v40+s21+$0x0], $0xffff;
	[tilespmem:s29+$0x1E0] =	vst v17  }
0xa4: {  	v38 =	vor.u32 $0x100, v4;
	v7 =	vld.idx.msk [tilespmem:v44+s21+$0x0], $0xffff;
	[tilespmem:s29+$0x260] =	vst v18  }
0xa5: {  	[tilespmem:s29+$0x2E0] =	vst v19;
	v48 =	vor.u32 $0x180, v2;
	v60 =	vld.idx.msk [tilespmem:v60+s21+$0x0], $0xffff  }
0xa6: {  	[tilespmem:s0+$0x2F0] =	vst v0;
	v0 =	vld [tilespmem:$0x1FF80]  }
0xa7: {  	v51 =	vor.u32 $0x300, v2;
	[tilespmem:s0+$0x390] =	vst v32;
	v32 =	vld.idx.msk [tilespmem:v62+s21+$0x0], $0xffff  }
0xa8: {  	v56 =	vor.u32 $0x100, v1;
	[tilespmem:s29+$0x360] =	vst v20;
	v30 =	vmov v21;
	v62 =	vld.idx.msk [tilespmem:v6+s21+$0x0], $0xffff  }
0xa9: {  	v31 =	vor.u32 $0x180, v1;
	v6 =	vld.idx.msk [tilespmem:v38+s21+$0x0], $0xffff;
	[tilespmem:s29+$0x3E0] =	vst v30  }
0xaa: {  	v57 =	vor.u32 $0x200, v1;
	v17 =	vld.idx.msk [tilespmem:v48+s21+$0x0], $0xffff  }
0xab: {  	[tilespmem:s0+$0x370] =	vst v0;
	v0 =	vld [tilespmem:$0x1FF90]  }
0xac: {  	v58 =	vor.u32 $0x280, v1;
	v20 =	vld.idx.msk [tilespmem:v51+s21+$0x0], $0xffff  }
0xad: {  	v61 =	vor.u32 $0x80, v3;
	[tilespmem:s0+$0x190] =	vst v27;
	v27 =	vld.idx.msk [tilespmem:v56+s21+$0x0], $0xffff  }
0xae: {  	v63 =	vor.u32 $0x180, v3;
	[tilespmem:s0+$0x90] =	vst v24;
	v24 =	vld.idx.msk [tilespmem:v31+s21+$0x0], $0xffff  }
0xaf: {  	v37 =	vor.u32 $0x280, v3;
	v56 =	vld.idx.msk [tilespmem:v57+s21+$0x0], $0xffff  }
0xb0: {  	[tilespmem:s0+$0x0] =	vst v0;
	v0 =	vld [tilespmem:$0x1FFA0]  }
0xb1: {  	[tilespmem:s29+$0xD0] =	vst v8;
	v39 =	vor.u32 $0x300, v3;
	v57 =	vld.idx.msk [tilespmem:v58+s21+$0x0], $0xffff  }
0xb2: {  	v42 =	vor.u32 $0x180, v4;
	[tilespmem:s0+$0x310] =	vst v22;
	v22 =	vld.idx.msk [tilespmem:v61+s21+$0x0], $0xffff  }
0xb3: {  	[tilespmem:s29+$0x150] =	vst v9;
	v43 =	vor.u32 $0x200, v4;
	v31 =	vld.idx.msk [tilespmem:v63+s21+$0x0], $0xffff  }
0xb4: {  	[tilespmem:s29+$0x1D0] =	vst v11;
	v21 =	vor.u32 $0x380, v4;
	v58 =	vld.idx.msk [tilespmem:v37+s21+$0x0], $0xffff  }
0xb5: {  	[tilespmem:s29+$0x20] =	vst v0;
	v0 =	vld [tilespmem:$0x1FFC0]  }
0xb6: {  	[tilespmem:s29+$0x250] =	vst v12;
	v49 =	vor.u32 $0x80, v2;
	v61 =	vld.idx.msk [tilespmem:v39+s21+$0x0], $0xffff  }
0xb7: {  	v35 =	vor.u32 $0x80, v5;
	[tilespmem:s0+$0x210] =	vst v25;
	v25 =	vld.idx.msk [tilespmem:v42+s21+$0x0], $0xffff  }
0xb8: {  	v45 =	vor.u32 $0x100, v5;
	[tilespmem:s0+$0x290] =	vst v23;
	v23 =	vld.idx.msk [tilespmem:v43+s21+$0x0], $0xffff  }
0xb9: {  	[tilespmem:s29+$0x2D0] =	vst v13;
	v33 =	vor.u32 $0x180, v5;
	v10 =	vld.idx.msk [tilespmem:v21+s21+$0x0], $0xffff  }
0xba: {  	[tilespmem:s29+$0x30] =	vst v0;
	v0 =	vld [tilespmem:$0x1FFD0]  }
0xbb: {  	[tilespmem:s29+$0x3D0] =	vst v14;
	v46 =	vor.u32 $0x200, v5;
	v15 =	vld.idx.msk [tilespmem:v49+s21+$0x0], $0xffff  }
0xbc: {  	v47 =	vor.u32 $0x280, v5;
	v8 =	vld.idx.msk [tilespmem:v35+s21+$0x0], $0xffff  }
0xbd: {  	[tilespmem:s0+$0x200] =	vst v28;
	v28 =	vor.u32 $0x300, v5;
	v9 =	vld.idx.msk [tilespmem:v45+s21+$0x0], $0xffff  }
0xbe: {  	v34 =	vor.u32 $0x380, v5;
	v11 =	vld.idx.msk [tilespmem:v33+s21+$0x0], $0xffff  }
0xbf: {  	[tilespmem:s29+$0x40] =	vst v0;
	v0 =	vld [tilespmem:$0x1FFE0]  }
0xc0: {  	v29 =	vor.u32 $0x100, v2;
	v12 =	vld.idx.msk [tilespmem:v46+s21+$0x0], $0xffff  }
0xc1: {  	v50 =	vor.u32 $0x200, v2;
	v13 =	vld.idx.msk [tilespmem:v47+s21+$0x0], $0xffff  }
0xc2: {  	v28 =	vld.idx.msk [tilespmem:v28+s21+$0x0], $0xffff  }
0xc3: {  	v54 =	vor.u32 $0x280, v2;
	v14 =	vld.idx.msk [tilespmem:v34+s21+$0x0], $0xffff  }
0xc4: {  	p0 =	slt.u32 s30, $0x38;
	v52 =	vor.u32 $0x380, v2;
	[tilespmem:s29+$0x50] =	vst v0;
	v0 =	vld [tilespmem:$0x1FFF0]  }
.Ltmp0:
0xc5: {  	v16 =	vld.idx.msk [tilespmem:v29+s21+$0x0], $0xffff;
	(pc) =	sbr.rel @p0 .LBB2_3-.Ltmp0, $4  }
0xc6: {  	v18 =	vld.idx.msk [tilespmem:v50+s21+$0x0], $0xffff  }
0xc7: {  	v29 =	vld [tilespmem:$0x1FFB0]  }
0xc8: {  	[tilespmem:s0+$0x10] =	vst v53;
	v19 =	vld.idx.msk [tilespmem:v54+s21+$0x0], $0xffff  }
0xc9: {  	s31 =	sadd.s32 $0x80, s31;
	v21 =	vld.idx.msk [tilespmem:v52+s21+$0x0], $0xffff;
	[tilespmem:s29+$0x60] =	vst v0;
	s29 =	smov.u32 s0  }
0xca: {  	_ =	sdelay $0x3  }
0xcb: {  	v0 =	vld.idx.msk [tilespmem:v1+s21+$0x0], $0xffff;
	[tilespmem:s29+$0xA0] =	vst v26  }
0xcc: {  	[tilespmem:s29+$0x120] =	vst v27  }
0xcd: {  	[tilespmem:s29+$0x1A0] =	vst v24  }
0xce: {  	[tilespmem:s29+$0x220] =	vst v56  }
0xcf: {  	[tilespmem:s29+$0x2A0] =	vst v57  }
0xd0: {  	[tilespmem:s29+$0x320] =	vst v36  }
0xd1: {  	[tilespmem:s29+$0x3A0] =	vst v60  }
0xd2: {  	v1 =	vld.idx.msk [tilespmem:v3+s21+$0x0], $0xffff;
	[tilespmem:s29+$0xB0] =	vst v22  }
0xd3: {  	[tilespmem:s29+$0x130] =	vst v32  }
0xd4: {  	[tilespmem:s29+$0x1B0] =	vst v31  }
0xd5: {  	[tilespmem:s29+$0x230] =	vst v59  }
0xd6: {  	[tilespmem:s29+$0x2B0] =	vst v58  }
0xd7: {  	[tilespmem:s29+$0x330] =	vst v61  }
0xd8: {  	[tilespmem:s29+$0x3B0] =	vst v41  }
0xd9: {  	v3 =	vld.idx.msk [tilespmem:v4+s21+$0x0], $0xffff;
	[tilespmem:s29+$0xC0] =	vst v62  }
0xda: {  	[tilespmem:s29+$0x140] =	vst v6  }
0xdb: {  	[tilespmem:s29+$0x1C0] =	vst v25  }
0xdc: {  	[tilespmem:s29+$0x240] =	vst v23  }
0xdd: {  	[tilespmem:s29+$0x2C0] =	vst v40  }
0xde: {  	[tilespmem:s29+$0x340] =	vst v7  }
0xdf: {  	[tilespmem:s29+$0x3C0] =	vst v10  }
0xe0: {  	v4 =	vld.idx.msk [tilespmem:v5+s21+$0x0], $0xffff;
	[tilespmem:s29+$0xD0] =	vst v8  }
0xe1: {  	[tilespmem:s29+$0x150] =	vst v9  }
0xe2: {  	[tilespmem:s29+$0x1D0] =	vst v11  }
0xe3: {  	[tilespmem:s29+$0x250] =	vst v12  }
0xe4: {  	[tilespmem:s29+$0x2D0] =	vst v13  }
0xe5: {  	[tilespmem:s29+$0x350] =	vst v28  }
0xe6: {  	[tilespmem:s29+$0x3D0] =	vst v14  }
0xe7: {  	v2 =	vld.idx.msk [tilespmem:v2+s21+$0x0], $0xffff;
	[tilespmem:s29+$0xE0] =	vst v15  }
0xe8: {  	[tilespmem:s29+$0x160] =	vst v16  }
0xe9: {  	[tilespmem:s29+$0x1E0] =	vst v17  }
0xea: {  	[tilespmem:s29+$0x360] =	vst v20  }
0xeb: {  	[tilespmem:s29+$0x260] =	vst v18  }
0xec: {  	[tilespmem:s29+$0x70] =	vst v29  }
0xed: {  	[tilespmem:s29+$0x2E0] =	vst v19  }
0xee: {  	[tilespmem:s29+$0x3E0] =	vst v21  }
0xef: {  	[tilespmem:s29+$0x20] =	vst v0  }
0xf0: {  	[tilespmem:s29+$0x30] =	vst v1  }
0xf1: {  	[tilespmem:s29+$0x40] =	vst v3  }
0xf2: {  	[tilespmem:s29+$0x50] =	vst v4  }
0xf3: {  	[tilespmem:s29+$0x60] =	vst v2  }
0xf4: {  	v0 =	vld [tilespmem:s26+$0x30];
	_ =	sdelay $0x4  }
0xf5: {  	v1 =	vshll.u32 v0, $0x3  }
0xf6: {  	v2 =	vld [tilespmem:s26+$0xFFFFFFC0];
	v0 =	vand.u32 $0x7F, v0;
	v1 =	vand.u32 $0xFFFFFC00, v1  }
0xf7: {  	v7 =	vld [tilespmem:s26+$0xFFFFFFD0];
	v0 =	vor.u32 v0, v1  }
0xf8: {  	v8 =	vld [tilespmem:s26+$0xFFFFFFE0];
	v1 =	vadd.s32 $0x2000, v0  }
0xf9: {  	v9 =	vld [tilespmem:s26+$0xFFFFFFF0];
	v3 =	vadd.s32 $0x2380, v0  }
0xfa: {  	v10 =	vld [tilespmem:s26+$0x0];
	v4 =	vadd.s32 $0x2080, v0  }
0xfb: {  	v6 =	vld [tilespmem:s26+$0x10];
	v11 =	vadd.s32 $0x2100, v0  }
0xfc: {  	v5 =	vld [tilespmem:s26+$0x20];
	v12 =	vadd.s32 $0x2180, v0  }
0xfd: {  	v13 =	vshll.u32 v2, $0x3;
	v15 =	vadd.s32 $0x2200, v0;
	v14 =	vld.idx.msk [tilespmem:v1+s21+$0x0], $0xffff  }
0xfe: {  	v2 =	vand.u32 $0x7F, v2;
	v1 =	vand.u32 $0xFFFFFC00, v13;
	v13 =	vadd.s32 $0x2280, v0;
	v16 =	vld.idx.msk [tilespmem:v3+s21+$0x0], $0xffff  }
0xff: {  	v17 =	vld.idx.msk [tilespmem:v4+s21+$0x0], $0xffff;
	v4 =	vadd.s32 $0x2300, v0;
	v18 =	vor.u32 v2, v1  }
0x100: {  	v0 =	vld.idx.msk [tilespmem:v11+s21+$0x0], $0xffff;
	v11 =	vadd.s32 $0x2000, v18  }
0x101: {  	v1 =	vld.idx.msk [tilespmem:v12+s21+$0x0], $0xffff;
	v12 =	vadd.s32 $0x2080, v18  }
0x102: {  	v2 =	vld.idx.msk [tilespmem:v15+s21+$0x0], $0xffff;
	v15 =	vadd.s32 $0x2100, v18  }
0x103: {  	s0 =	simm.s32 $0x0;
	v19 =	vadd.s32 $0x2200, v18;
	v3 =	vld.idx.msk [tilespmem:v13+s21+$0x0], $0xffff  }
0x104: {  	s0 =	smul.u32 $0xC000, s0;
	v46 =	vadd.s32 $0x2280, v18;
	v4 =	vld.idx.msk [tilespmem:v4+s21+$0x0], $0xffff  }
0x105: {  	v20 =	vshll.u32 v7, $0x3;
	v47 =	vadd.s32 $0x2300, v18;
	v11 =	vld.idx.msk [tilespmem:v11+s21+$0x0], $0xffff  }
0x106: {  	s0 =	sshra.s32 s0, $0x2;
	v7 =	vand.u32 $0x7F, v7;
	v20 =	vand.u32 $0xFFFFFC00, v20;
	v13 =	vadd.s32 $0x2180, v18;
	v12 =	vld.idx.msk [tilespmem:v12+s21+$0x0], $0xffff  }
0x107: {  	s0 =	sadd.s32 s0, s23;
	v7 =	vor.u32 v7, v20;
	v18 =	vadd.s32 $0x2380, v18;
	v15 =	vld.idx.msk [tilespmem:v15+s21+$0x0], $0xffff  }
0x108: {  	s28 =	sadd.s32 s28, s0;
	v51 =	vadd.s32 $0x2300, v7;
	v19 =	vld.idx.msk [tilespmem:v19+s21+$0x0], $0xffff  }
0x109: {  	v20 =	vadd.s32 $0x2000, v7;
	[tilespmem:s28+$0x13F0] =	vst v16;
	v21 =	vld.idx.msk [tilespmem:v46+s21+$0x0], $0xffff  }
0x10a: {  	[tilespmem:s28+$0x10F0] =	vst v17;
	v17 =	vadd.s32 $0x2200, v7;
	v22 =	vld.idx.msk [tilespmem:v47+s21+$0x0], $0xffff  }
0x10b: {  	v16 =	vadd.s32 $0x2100, v7;
	[tilespmem:s28+$0x1070] =	vst v14;
	v13 =	vld.idx.msk [tilespmem:v13+s21+$0x0], $0xffff  }
0x10c: {  	v48 =	vadd.s32 $0x2080, v7;
	v18 =	vld.idx.msk [tilespmem:v18+s21+$0x0], $0xffff;
	[tilespmem:s28+$0x1000] =	vst v11  }
0x10d: {  	v49 =	vshll.u32 v8, $0x3;
	v50 =	vadd.s32 $0x2280, v7;
	v53 =	vld.idx.msk [tilespmem:v51+s21+$0x0], $0xffff;
	[tilespmem:s28+$0x1080] =	vst v12  }
0x10e: {  	v8 =	vand.u32 $0x7F, v8;
	v14 =	vadd.s32 $0x2180, v7;
	v11 =	vld.idx.msk [tilespmem:v20+s21+$0x0], $0xffff;
	v20 =	vand.u32 $0xFFFFFC00, v49;
	[tilespmem:s28+$0x1100] =	vst v15  }
0x10f: {  	v7 =	vadd.s32 $0x2380, v7;
	v17 =	vld.idx.msk [tilespmem:v17+s21+$0x0], $0xffff;
	[tilespmem:s28+$0x1200] =	vst v19;
	v8 =	vor.u32 v8, v20  }
0x110: {  	v15 =	vld.idx.msk [tilespmem:v16+s21+$0x0], $0xffff;
	[tilespmem:s28+$0x1280] =	vst v21;
	v16 =	vadd.s32 $0x2000, v8  }
0x111: {  	v12 =	vld.idx.msk [tilespmem:v48+s21+$0x0], $0xffff;
	[tilespmem:s28+$0x1300] =	vst v22;
	v54 =	vadd.s32 $0x2200, v8  }
0x112: {  	v20 =	vld.idx.msk [tilespmem:v50+s21+$0x0], $0xffff;
	v55 =	vadd.s32 $0x2280, v8;
	[tilespmem:s28+$0x1180] =	vst v13  }
0x113: {  	v13 =	vld.idx.msk [tilespmem:v14+s21+$0x0], $0xffff;
	v14 =	vadd.s32 $0x2080, v8;
	[tilespmem:s28+$0x1380] =	vst v18  }
0x114: {  	v7 =	vld.idx.msk [tilespmem:v7+s21+$0x0], $0xffff;
	v19 =	vadd.s32 $0x2100, v8;
	[tilespmem:s28+$0x1210] =	vst v17  }
0x115: {  	v52 =	vadd.s32 $0x2180, v8;
	v18 =	vshll.u32 v9, $0x3;
	[tilespmem:s28+$0x1010] =	vst v11;
	v11 =	vld.idx.msk [tilespmem:v16+s21+$0x0], $0xffff  }
0x116: {  	v9 =	vand.u32 $0x7F, v9;
	[tilespmem:s28+$0x1090] =	vst v12;
	v16 =	vand.u32 $0xFFFFFC00, v18;
	v18 =	vadd.s32 $0x2300, v8;
	v17 =	vld.idx.msk [tilespmem:v54+s21+$0x0], $0xffff  }
0x117: {  	[tilespmem:s28+$0x1290] =	vst v20;
	v8 =	vadd.s32 $0x2380, v8;
	v20 =	vld.idx.msk [tilespmem:v55+s21+$0x0], $0xffff;
	v9 =	vor.u32 v9, v16  }
0x118: {  	[tilespmem:s28+$0x1110] =	vst v15;
	v12 =	vld.idx.msk [tilespmem:v14+s21+$0x0], $0xffff;
	v15 =	vadd.s32 $0x2000, v9  }
0x119: {  	[tilespmem:s28+$0x1310] =	vst v53;
	v14 =	vld.idx.msk [tilespmem:v19+s21+$0x0], $0xffff;
	v16 =	vadd.s32 $0x2080, v9  }
0x11a: {  	[tilespmem:s28+$0x1190] =	vst v13;
	v13 =	vld.idx.msk [tilespmem:v52+s21+$0x0], $0xffff;
	v19 =	vadd.s32 $0x2100, v9  }
0x11b: {  	[tilespmem:s28+$0x1390] =	vst v7;
	v56 =	vadd.s32 $0x2180, v9;
	v18 =	vld.idx.msk [tilespmem:v18+s21+$0x0], $0xffff  }
0x11c: {  	v57 =	vadd.s32 $0x2200, v9;
	v7 =	vld.idx.msk [tilespmem:v8+s21+$0x0], $0xffff;
	[tilespmem:s28+$0x1020] =	vst v11  }
0x11d: {  	v58 =	vadd.s32 $0x2280, v9;
	v8 =	vshll.u32 v10, $0x3;
	[tilespmem:s28+$0x1220] =	vst v17;
	v11 =	vld.idx.msk [tilespmem:v15+s21+$0x0], $0xffff  }
0x11e: {  	v10 =	vand.u32 $0x7F, v10;
	v8 =	vand.u32 $0xFFFFFC00, v8;
	[tilespmem:s28+$0x10A0] =	vst v12;
	v15 =	vadd.s32 $0x2300, v9;
	v12 =	vld.idx.msk [tilespmem:v16+s21+$0x0], $0xffff  }
0x11f: {  	[tilespmem:s28+$0x1120] =	vst v14;
	v8 =	vor.u32 v10, v8;
	v9 =	vadd.s32 $0x2380, v9;
	v10 =	vld.idx.msk [tilespmem:v19+s21+$0x0], $0xffff  }
0x120: {  	[tilespmem:s28+$0x11A0] =	vst v13;
	v13 =	vld.idx.msk [tilespmem:v56+s21+$0x0], $0xffff;
	v14 =	vadd.s32 $0x2000, v8  }
0x121: {  	[tilespmem:s28+$0x12A0] =	vst v20;
	v17 =	vld.idx.msk [tilespmem:v57+s21+$0x0], $0xffff;
	v16 =	vadd.s32 $0x2080, v8  }
0x122: {  	v20 =	vld.idx.msk [tilespmem:v58+s21+$0x0], $0xffff;
	v59 =	vadd.s32 $0x2180, v8;
	[tilespmem:s28+$0x1320] =	vst v18  }
0x123: {  	v19 =	vadd.s32 $0x2100, v8;
	[tilespmem:s28+$0x13A0] =	vst v7;
	v15 =	vld.idx.msk [tilespmem:v15+s21+$0x0], $0xffff  }
0x124: {  	v60 =	vadd.s32 $0x2280, v8;
	v7 =	vld.idx.msk [tilespmem:v9+s21+$0x0], $0xffff;
	[tilespmem:s28+$0x1030] =	vst v11  }
0x125: {  	v18 =	vadd.s32 $0x2200, v8;
	v9 =	vshll.u32 v6, $0x3;
	[tilespmem:s28+$0x10B0] =	vst v12;
	v11 =	vld.idx.msk [tilespmem:v14+s21+$0x0], $0xffff  }
0x126: {  	v6 =	vand.u32 $0x7F, v6;
	[tilespmem:s28+$0x1130] =	vst v10;
	v9 =	vand.u32 $0xFFFFFC00, v9;
	v14 =	vadd.s32 $0x2300, v8;
	v12 =	vld.idx.msk [tilespmem:v16+s21+$0x0], $0xffff  }
0x127: {  	[tilespmem:s28+$0x11B0] =	vst v13;
	v8 =	vadd.s32 $0x2380, v8;
	v16 =	vld.idx.msk [tilespmem:v59+s21+$0x0], $0xffff;
	v6 =	vor.u32 v6, v9  }
0x128: {  	[tilespmem:s28+$0x1230] =	vst v17;
	v9 =	vld.idx.msk [tilespmem:v19+s21+$0x0], $0xffff;
	v10 =	vadd.s32 $0x2000, v6  }
0x129: {  	[tilespmem:s28+$0x12B0] =	vst v20;
	v19 =	vld.idx.msk [tilespmem:v60+s21+$0x0], $0xffff;
	v13 =	vadd.s32 $0x2080, v6  }
0x12a: {  	v17 =	vld.idx.msk [tilespmem:v18+s21+$0x0], $0xffff;
	v18 =	vadd.s32 $0x2100, v6;
	[tilespmem:s28+$0x1330] =	vst v15  }
0x12b: {  	v20 =	vadd.s32 $0x2180, v6;
	[tilespmem:s28+$0x13B0] =	vst v7;
	v61 =	vld.idx.msk [tilespmem:v14+s21+$0x0], $0xffff  }
0x12c: {  	v62 =	vadd.s32 $0x2200, v6;
	v7 =	vld.idx.msk [tilespmem:v8+s21+$0x0], $0xffff;
	[tilespmem:s28+$0x1040] =	vst v11  }
0x12d: {  	v8 =	vadd.s32 $0x2280, v6;
	[tilespmem:s28+$0x10C0] =	vst v12;
	v63 =	vld.idx.msk [tilespmem:v10+s21+$0x0], $0xffff  }
0x12e: {  	[tilespmem:s28+$0x11C0] =	vst v16;
	v10 =	vadd.s32 $0x2300, v6;
	v13 =	vld.idx.msk [tilespmem:v13+s21+$0x0], $0xffff  }
0x12f: {  	[tilespmem:s28+$0x1140] =	vst v9;
	v9 =	vshll.u32 v5, $0x3;
	v6 =	vadd.s32 $0x2380, v6;
	v14 =	vld.idx.msk [tilespmem:v18+s21+$0x0], $0xffff  }
0x130: {  	v5 =	vand.u32 $0x7F, v5;
	[tilespmem:s28+$0x12C0] =	vst v19;
	v15 =	vld.idx.msk [tilespmem:v20+s21+$0x0], $0xffff;
	v9 =	vand.u32 $0xFFFFFC00, v9  }
0x131: {  	[tilespmem:s28+$0x1240] =	vst v17;
	v16 =	vld.idx.msk [tilespmem:v62+s21+$0x0], $0xffff;
	v5 =	vor.u32 v5, v9  }
0x132: {  	v12 =	vadd.s32 $0x2000, v5;
	v11 =	vadd.s32 $0x2080, v5;
	v17 =	vld.idx.msk [tilespmem:v8+s21+$0x0], $0xffff;
	[tilespmem:s28+$0x1340] =	vst v61  }
0x133: {  	v9 =	vadd.s32 $0x2180, v5;
	v8 =	vadd.s32 $0x2200, v5;
	[tilespmem:s28+$0x13C0] =	vst v7;
	v7 =	vadd.s32 $0x2280, v5;
	v19 =	vld.idx.msk [tilespmem:v10+s21+$0x0], $0xffff  }
0x134: {  	s30 =	simm.s32 $0xC0;
	s29 =	simm.s32 $0x0;
	v10 =	vadd.s32 $0x2100, v5;
	v18 =	vld.idx.msk [tilespmem:v6+s21+$0x0], $0xffff;
	v6 =	vadd.s32 $0x2300, v5;
	v5 =	vadd.s32 $0x2380, v5;
	[tilespmem:s28+$0x1050] =	vst v63  }
.LBB2_5:
0x135: {  	v20 =	vld [tilespmem:s30+$0x30];
	[tilespmem:s28+$0x10D0] =	vst v13  }
0x136: {  	v13 =	vld [tilespmem:s30+$0xFFFFFFC0];
	[tilespmem:s28+$0x1150] =	vst v14  }
0x137: {  	v14 =	vld [tilespmem:s30+$0xFFFFFFD0];
	[tilespmem:s28+$0x11D0] =	vst v15  }
0x138: {  	v15 =	vld [tilespmem:s30+$0xFFFFFFE0];
	[tilespmem:s28+$0x1250] =	vst v16  }
0x139: {  	v16 =	vld [tilespmem:s30+$0xFFFFFFF0];
	[tilespmem:s28+$0x12D0] =	vst v17  }
0x13a: {  	v17 =	vld [tilespmem:s30+$0x0];
	v21 =	vshll.u32 v20, $0x3;
	[tilespmem:s28+$0x1350] =	vst v19  }
0x13b: {  	v20 =	vand.u32 $0x7F, v20;
	v19 =	vshll.u32 v13, $0x3;
	v22 =	vld [tilespmem:s30+$0x10];
	v21 =	vand.u32 $0xFFFFFC00, v21;
	[tilespmem:s28+$0x13D0] =	vst v18  }
0x13c: {  	v18 =	vand.u32 $0xFFFFFC00, v19;
	v19 =	vshll.u32 v14, $0x3;
	v23 =	vld [tilespmem:s30+$0x20];
	v20 =	vor.u32 v20, v21;
	[tilespmem:s28+$0x1170] =	vst v0  }
0x13d: {  	v19 =	vand.u32 $0xFFFFFC00, v19;
	v0 =	vshll.u32 v15, $0x3;
	v21 =	vadd.s32 $0x2000, v20;
	v12 =	vld.idx.msk [tilespmem:v12+s21+$0x0], $0xffff;
	[tilespmem:s28+$0x11F0] =	vst v1  }
0x13e: {  	v24 =	vadd.s32 $0x2380, v20;
	v1 =	vand.u32 $0xFFFFFC00, v0;
	v0 =	vshll.u32 v16, $0x3;
	v11 =	vld.idx.msk [tilespmem:v11+s21+$0x0], $0xffff;
	[tilespmem:s28+$0x1270] =	vst v2  }
0x13f: {  	v25 =	vadd.s32 $0x2080, v20;
	v2 =	vand.u32 $0xFFFFFC00, v0;
	v0 =	vshll.u32 v17, $0x3;
	v10 =	vld.idx.msk [tilespmem:v10+s21+$0x0], $0xffff;
	[tilespmem:s28+$0x12F0] =	vst v3  }
0x140: {  	v26 =	vadd.s32 $0x2100, v20;
	v3 =	vand.u32 $0xFFFFFC00, v0;
	v0 =	vshll.u32 v22, $0x3;
	v9 =	vld.idx.msk [tilespmem:v9+s21+$0x0], $0xffff;
	[tilespmem:s28+$0x1370] =	vst v4  }
0x141: {  	v27 =	vadd.s32 $0x2180, v20;
	v4 =	vand.u32 $0xFFFFFC00, v0;
	v0 =	vshll.u32 v23, $0x3;
	v8 =	vld.idx.msk [tilespmem:v8+s21+$0x0], $0xffff  }
0x142: {  	s29 =	sadd.s32 $0x8, s29;
	v13 =	vand.u32 $0x7F, v13;
	v29 =	vadd.s32 $0x2200, v20;
	v28 =	vand.u32 $0xFFFFFC00, v0;
	v21 =	vld.idx.msk [tilespmem:v21+s21+$0x0], $0xffff  }
0x143: {  	s0 =	sshrl.u32 s29, $0x5;
	p0 =	slt.u32 s29, $0x38;
	v14 =	vand.u32 $0x7F, v14;
	v15 =	vand.u32 $0x7F, v15;
	v30 =	vadd.s32 $0x2280, v20;
	v24 =	vld.idx.msk [tilespmem:v24+s21+$0x0], $0xffff  }
0x144: {  	s0 =	smul.u32 $0xC000, s0;
	v20 =	vadd.s32 $0x2300, v20;
	v16 =	vand.u32 $0x7F, v16;
	v17 =	vand.u32 $0x7F, v17;
	v25 =	vld.idx.msk [tilespmem:v25+s21+$0x0], $0xffff  }
0x145: {  	v13 =	vor.u32 v13, v18;
	v18 =	vand.u32 $0x7F, v22;
	v22 =	vand.u32 $0x7F, v23;
	v0 =	vld.idx.msk [tilespmem:v26+s21+$0x0], $0xffff  }
0x146: {  	s25 =	sadd.s32 $0x400, s25;
	s0 =	sshra.s32 s0, $0x2;
	v14 =	vor.u32 v14, v19;
	v15 =	vor.u32 v15, v1;
	v16 =	vor.u32 v16, v2;
	v1 =	vld.idx.msk [tilespmem:v27+s21+$0x0], $0xffff  }
0x147: {  	s1 =	sand.u32 $0xC00, s25;
	s0 =	sadd.s32 s0, s23;
	v17 =	vor.u32 v17, v3;
	v18 =	vor.u32 v18, v4;
	v19 =	vor.u32 v22, v28;
	v2 =	vld.idx.msk [tilespmem:v29+s21+$0x0], $0xffff  }
0x148: {  	s0 =	sadd.s32 s1, s0;
	v23 =	vadd.s32 $0x2080, v13;
	v22 =	vadd.s32 $0x2000, v13;
	v26 =	vadd.s32 $0x2100, v13;
	v3 =	vld.idx.msk [tilespmem:v30+s21+$0x0], $0xffff  }
0x149: {  	s26 =	simm.s32 $0x0;
	s1 =	simm.s32 $0x40;
	v28 =	vadd.s32 $0x2200, v13;
	v27 =	vadd.s32 $0x2180, v13;
	v29 =	vadd.s32 $0x2280, v13;
	v4 =	vld.idx.msk [tilespmem:v20+s21+$0x0], $0xffff;
	[tilespmem:s0+$0x13F0] =	vst v24  }
0x14a: {  	v20 =	vadd.s32 $0x2300, v13;
	v13 =	vadd.s32 $0x2380, v13;
	v24 =	vadd.s32 $0x2000, v14;
	[tilespmem:s0+$0x1070] =	vst v21;
	v7 =	vld.idx.msk [tilespmem:v7+s21+$0x0], $0xffff  }
0x14b: {  	v31 =	vadd.s32 $0x2180, v14;
	v30 =	vadd.s32 $0x2100, v14;
	v21 =	vadd.s32 $0x2080, v14;
	[tilespmem:s0+$0x10F0] =	vst v25;
	v6 =	vld.idx.msk [tilespmem:v6+s21+$0x0], $0xffff  }
0x14c: {  	v32 =	vadd.s32 $0x2280, v14;
	v33 =	vadd.s32 $0x2300, v14;
	v25 =	vadd.s32 $0x2200, v14;
	v5 =	vld.idx.msk [tilespmem:v5+s21+$0x0], $0xffff;
	[tilespmem:s28+$0x1060] =	vst v12  }
0x14d: {  	v34 =	vadd.s32 $0x2080, v15;
	v14 =	vadd.s32 $0x2380, v14;
	v12 =	vld.idx.msk [tilespmem:v22+s21+$0x0], $0xffff;
	v22 =	vadd.s32 $0x2000, v15;
	[tilespmem:s28+$0x10E0] =	vst v11  }
0x14e: {  	v35 =	vadd.s32 $0x2180, v15;
	v36 =	vadd.s32 $0x2200, v15;
	v11 =	vld.idx.msk [tilespmem:v23+s21+$0x0], $0xffff;
	v23 =	vadd.s32 $0x2100, v15;
	[tilespmem:s28+$0x1160] =	vst v10  }
0x14f: {  	v37 =	vadd.s32 $0x2300, v15;
	v10 =	vld.idx.msk [tilespmem:v26+s21+$0x0], $0xffff;
	v26 =	vadd.s32 $0x2280, v15;
	v15 =	vadd.s32 $0x2380, v15;
	[tilespmem:s28+$0x11E0] =	vst v9  }
0x150: {  	v38 =	vadd.s32 $0x2080, v16;
	v39 =	vadd.s32 $0x2100, v16;
	v9 =	vld.idx.msk [tilespmem:v27+s21+$0x0], $0xffff;
	v27 =	vadd.s32 $0x2000, v16;
	[tilespmem:s28+$0x1260] =	vst v8  }
0x151: {  	v40 =	vadd.s32 $0x2200, v16;
	v41 =	vadd.s32 $0x2280, v16;
	v8 =	vld.idx.msk [tilespmem:v28+s21+$0x0], $0xffff;
	v28 =	vadd.s32 $0x2180, v16;
	[tilespmem:s28+$0x12E0] =	vst v7  }
0x152: {  	v42 =	vadd.s32 $0x2000, v17;
	v7 =	vld.idx.msk [tilespmem:v29+s21+$0x0], $0xffff;
	v29 =	vadd.s32 $0x2300, v16;
	v16 =	vadd.s32 $0x2380, v16;
	[tilespmem:s28+$0x1360] =	vst v6  }
0x153: {  	v43 =	vadd.s32 $0x2100, v17;
	v44 =	vadd.s32 $0x2180, v17;
	v6 =	vld.idx.msk [tilespmem:v20+s21+$0x0], $0xffff;
	v20 =	vadd.s32 $0x2080, v17;
	[tilespmem:s28+$0x13E0] =	vst v5;
	s28 =	smov.u32 s0  }
0x154: {  	v45 =	vadd.s32 $0x2200, v17;
	v46 =	vadd.s32 $0x2280, v17;
	v47 =	vadd.s32 $0x2300, v17;
	v13 =	vld.idx.msk [tilespmem:v13+s21+$0x0], $0xffff;
	[tilespmem:s28+$0x1000] =	vst v12  }
0x155: {  	v48 =	vadd.s32 $0x2000, v18;
	v49 =	vadd.s32 $0x2080, v18;
	v17 =	vadd.s32 $0x2380, v17;
	[tilespmem:s28+$0x1080] =	vst v11;
	v24 =	vld.idx.msk [tilespmem:v24+s21+$0x0], $0xffff  }
0x156: {  	v50 =	vadd.s32 $0x2100, v18;
	v51 =	vadd.s32 $0x2180, v18;
	v52 =	vadd.s32 $0x2200, v18;
	[tilespmem:s28+$0x1100] =	vst v10;
	v21 =	vld.idx.msk [tilespmem:v21+s21+$0x0], $0xffff  }
0x157: {  	v53 =	vadd.s32 $0x2280, v18;
	v54 =	vadd.s32 $0x2300, v18;
	v18 =	vadd.s32 $0x2380, v18;
	[tilespmem:s28+$0x1180] =	vst v9;
	v30 =	vld.idx.msk [tilespmem:v30+s21+$0x0], $0xffff  }
0x158: {  	v12 =	vadd.s32 $0x2000, v19;
	v11 =	vadd.s32 $0x2080, v19;
	v10 =	vadd.s32 $0x2100, v19;
	[tilespmem:s28+$0x1200] =	vst v8;
	v31 =	vld.idx.msk [tilespmem:v31+s21+$0x0], $0xffff  }
0x159: {  	v9 =	vadd.s32 $0x2180, v19;
	v8 =	vadd.s32 $0x2200, v19;
	[tilespmem:s28+$0x1280] =	vst v7;
	v25 =	vld.idx.msk [tilespmem:v25+s21+$0x0], $0xffff;
	v7 =	vadd.s32 $0x2280, v19  }
0x15a: {  	v5 =	vadd.s32 $0x2380, v19;
	[tilespmem:s28+$0x1300] =	vst v6;
	v32 =	vld.idx.msk [tilespmem:v32+s21+$0x0], $0xffff;
	v6 =	vadd.s32 $0x2300, v19  }
0x15b: {  	[tilespmem:s28+$0x1380] =	vst v13;
	v13 =	vld.idx.msk [tilespmem:v33+s21+$0x0], $0xffff  }
0x15c: {  	v14 =	vld.idx.msk [tilespmem:v14+s21+$0x0], $0xffff;
	[tilespmem:s28+$0x1010] =	vst v24  }
0x15d: {  	[tilespmem:s28+$0x1090] =	vst v21;
	v19 =	vld.idx.msk [tilespmem:v22+s21+$0x0], $0xffff  }
0x15e: {  	[tilespmem:s28+$0x1110] =	vst v30;
	v21 =	vld.idx.msk [tilespmem:v34+s21+$0x0], $0xffff  }
0x15f: {  	[tilespmem:s28+$0x1190] =	vst v31;
	v22 =	vld.idx.msk [tilespmem:v23+s21+$0x0], $0xffff  }
0x160: {  	[tilespmem:s28+$0x1210] =	vst v25;
	v23 =	vld.idx.msk [tilespmem:v35+s21+$0x0], $0xffff  }
0x161: {  	[tilespmem:s28+$0x1290] =	vst v32;
	v24 =	vld.idx.msk [tilespmem:v36+s21+$0x0], $0xffff  }
0x162: {  	[tilespmem:s28+$0x1310] =	vst v13;
	v13 =	vld.idx.msk [tilespmem:v26+s21+$0x0], $0xffff  }
0x163: {  	[tilespmem:s28+$0x1390] =	vst v14;
	v14 =	vld.idx.msk [tilespmem:v37+s21+$0x0], $0xffff  }
0x164: {  	v15 =	vld.idx.msk [tilespmem:v15+s21+$0x0], $0xffff;
	[tilespmem:s28+$0x1020] =	vst v19  }
0x165: {  	[tilespmem:s28+$0x10A0] =	vst v21;
	v19 =	vld.idx.msk [tilespmem:v27+s21+$0x0], $0xffff  }
0x166: {  	[tilespmem:s28+$0x1120] =	vst v22;
	v21 =	vld.idx.msk [tilespmem:v38+s21+$0x0], $0xffff  }
0x167: {  	[tilespmem:s28+$0x11A0] =	vst v23;
	v22 =	vld.idx.msk [tilespmem:v39+s21+$0x0], $0xffff  }
0x168: {  	[tilespmem:s28+$0x1220] =	vst v24;
	v23 =	vld.idx.msk [tilespmem:v28+s21+$0x0], $0xffff  }
0x169: {  	[tilespmem:s28+$0x12A0] =	vst v13;
	v13 =	vld.idx.msk [tilespmem:v40+s21+$0x0], $0xffff  }
0x16a: {  	[tilespmem:s28+$0x1320] =	vst v14;
	v14 =	vld.idx.msk [tilespmem:v41+s21+$0x0], $0xffff  }
0x16b: {  	[tilespmem:s28+$0x13A0] =	vst v15;
	v15 =	vld.idx.msk [tilespmem:v29+s21+$0x0], $0xffff  }
0x16c: {  	v16 =	vld.idx.msk [tilespmem:v16+s21+$0x0], $0xffff;
	[tilespmem:s28+$0x1030] =	vst v19  }
0x16d: {  	[tilespmem:s28+$0x10B0] =	vst v21;
	v19 =	vld.idx.msk [tilespmem:v42+s21+$0x0], $0xffff  }
0x16e: {  	[tilespmem:s28+$0x1130] =	vst v22;
	v20 =	vld.idx.msk [tilespmem:v20+s21+$0x0], $0xffff  }
0x16f: {  	[tilespmem:s28+$0x11B0] =	vst v23;
	v21 =	vld.idx.msk [tilespmem:v43+s21+$0x0], $0xffff  }
0x170: {  	[tilespmem:s28+$0x1230] =	vst v13;
	v22 =	vld.idx.msk [tilespmem:v44+s21+$0x0], $0xffff  }
0x171: {  	[tilespmem:s28+$0x12B0] =	vst v14;
	v23 =	vld.idx.msk [tilespmem:v45+s21+$0x0], $0xffff  }
0x172: {  	[tilespmem:s28+$0x1330] =	vst v15;
	v24 =	vld.idx.msk [tilespmem:v46+s21+$0x0], $0xffff  }
0x173: {  	[tilespmem:s28+$0x13B0] =	vst v16;
	v25 =	vld.idx.msk [tilespmem:v47+s21+$0x0], $0xffff  }
0x174: {  	v26 =	vld.idx.msk [tilespmem:v17+s21+$0x0], $0xffff;
	[tilespmem:s28+$0x1040] =	vst v19  }
0x175: {  	[tilespmem:s28+$0x10C0] =	vst v20;
	v20 =	vld.idx.msk [tilespmem:v48+s21+$0x0], $0xffff  }
0x176: {  	[tilespmem:s28+$0x1140] =	vst v21;
	v13 =	vld.idx.msk [tilespmem:v49+s21+$0x0], $0xffff  }
0x177: {  	[tilespmem:s28+$0x11C0] =	vst v22;
	v14 =	vld.idx.msk [tilespmem:v50+s21+$0x0], $0xffff  }
.Ltmp1:
0x178: {  	[tilespmem:s28+$0x1240] =	vst v23;
	v15 =	vld.idx.msk [tilespmem:v51+s21+$0x0], $0xffff;
	(pc) =	sbr.rel @p0 .LBB2_5-.Ltmp1, $4  }
0x179: {  	[tilespmem:s28+$0x12C0] =	vst v24;
	v16 =	vld.idx.msk [tilespmem:v52+s21+$0x0], $0xffff  }
0x17a: {  	[tilespmem:s28+$0x1340] =	vst v25;
	v17 =	vld.idx.msk [tilespmem:v53+s21+$0x0], $0xffff  }
0x17b: {  	[tilespmem:s28+$0x13C0] =	vst v26;
	v19 =	vld.idx.msk [tilespmem:v54+s21+$0x0], $0xffff  }
0x17c: {  	s30 =	sadd.s32 $0x80, s30;
	v18 =	vld.idx.msk [tilespmem:v18+s21+$0x0], $0xffff;
	[tilespmem:s28+$0x1050] =	vst v20  }
0x17d: {  	[tilespmem:s28+$0x10D0] =	vst v13  }
0x17e: {  	[tilespmem:s28+$0x1150] =	vst v14  }
0x17f: {  	[tilespmem:s28+$0x11D0] =	vst v15  }
0x180: {  	[tilespmem:s28+$0x1170] =	vst v0  }
0x181: {  	[tilespmem:s28+$0x11F0] =	vst v1  }
0x182: {  	v12 =	vld.idx.msk [tilespmem:v12+s21+$0x0], $0xffff;
	[tilespmem:s28+$0x1270] =	vst v2  }
0x183: {  	v11 =	vld.idx.msk [tilespmem:v11+s21+$0x0], $0xffff;
	[tilespmem:s28+$0x12F0] =	vst v3  }
0x184: {  	v10 =	vld.idx.msk [tilespmem:v10+s21+$0x0], $0xffff;
	[tilespmem:s28+$0x1370] =	vst v4  }
0x185: {  	v0 =	vld.idx.msk [tilespmem:v9+s21+$0x0], $0xffff;
	[tilespmem:s28+$0x1250] =	vst v16  }
0x186: {  	v1 =	vld.idx.msk [tilespmem:v8+s21+$0x0], $0xffff;
	[tilespmem:s28+$0x12D0] =	vst v17  }
0x187: {  	v2 =	vld.idx.msk [tilespmem:v7+s21+$0x0], $0xffff;
	[tilespmem:s28+$0x1350] =	vst v19  }
0x188: {  	v3 =	vld.idx.msk [tilespmem:v6+s21+$0x0], $0xffff;
	[tilespmem:s28+$0x13D0] =	vst v18  }
0x189: {  	v4 =	vld.idx.msk [tilespmem:v5+s21+$0x0], $0xffff;
	[tilespmem:s28+$0x1060] =	vst v12  }
0x18a: {  	[tilespmem:s28+$0x10E0] =	vst v11  }
0x18b: {  	[tilespmem:s28+$0x1160] =	vst v10  }
0x18c: {  	[tilespmem:s28+$0x11E0] =	vst v0  }
0x18d: {  	[tilespmem:s28+$0x1260] =	vst v1  }
0x18e: {  	[tilespmem:s28+$0x12E0] =	vst v2  }
0x18f: {  	[tilespmem:s28+$0x1360] =	vst v3  }
0x190: {  	[tilespmem:s28+$0x13E0] =	vst v4  }
0x191: {  	v0 =	vld [tilespmem:s1+$0x30];
	_ =	sdelay $0x4  }
0x192: {  	v1 =	vshll.u32 v0, $0x3  }
0x193: {  	v2 =	vld [tilespmem:s1+$0xFFFFFFC0];
	v0 =	vand.u32 $0x7F, v0;
	v1 =	vand.u32 $0xFFFFFC00, v1  }
0x194: {  	v7 =	vld [tilespmem:s1+$0xFFFFFFD0];
	v0 =	vor.u32 v0, v1  }
0x195: {  	v8 =	vld [tilespmem:s1+$0xFFFFFFE0];
	v1 =	vadd.s32 $0x4000, v0  }
0x196: {  	v9 =	vld [tilespmem:s1+$0xFFFFFFF0];
	v3 =	vadd.s32 $0x4380, v0  }
0x197: {  	v10 =	vld [tilespmem:s1+$0x0];
	v4 =	vadd.s32 $0x4080, v0  }
0x198: {  	v6 =	vld [tilespmem:s1+$0x10];
	v11 =	vadd.s32 $0x4100, v0  }
0x199: {  	v5 =	vld [tilespmem:s1+$0x20];
	v12 =	vadd.s32 $0x4180, v0  }
0x19a: {  	v13 =	vshll.u32 v2, $0x3;
	v15 =	vadd.s32 $0x4200, v0;
	v14 =	vld.idx.msk [tilespmem:v1+s21+$0x0], $0xffff  }
0x19b: {  	v2 =	vand.u32 $0x7F, v2;
	v1 =	vand.u32 $0xFFFFFC00, v13;
	v13 =	vadd.s32 $0x4280, v0;
	v16 =	vld.idx.msk [tilespmem:v3+s21+$0x0], $0xffff  }
0x19c: {  	v17 =	vld.idx.msk [tilespmem:v4+s21+$0x0], $0xffff;
	v4 =	vadd.s32 $0x4300, v0;
	v18 =	vor.u32 v2, v1  }
0x19d: {  	v0 =	vld.idx.msk [tilespmem:v11+s21+$0x0], $0xffff;
	v11 =	vadd.s32 $0x4000, v18  }
0x19e: {  	v1 =	vld.idx.msk [tilespmem:v12+s21+$0x0], $0xffff;
	v12 =	vadd.s32 $0x4080, v18  }
0x19f: {  	v2 =	vld.idx.msk [tilespmem:v15+s21+$0x0], $0xffff;
	v15 =	vadd.s32 $0x4100, v18  }
0x1a0: {  	s0 =	simm.s32 $0x0;
	v19 =	vadd.s32 $0x4200, v18;
	v3 =	vld.idx.msk [tilespmem:v13+s21+$0x0], $0xffff  }
0x1a1: {  	s0 =	smul.u32 $0xC000, s0;
	v21 =	vadd.s32 $0x4280, v18;
	v4 =	vld.idx.msk [tilespmem:v4+s21+$0x0], $0xffff  }
0x1a2: {  	v20 =	vshll.u32 v7, $0x3;
	v22 =	vadd.s32 $0x4300, v18;
	v11 =	vld.idx.msk [tilespmem:v11+s21+$0x0], $0xffff  }
0x1a3: {  	s0 =	sshra.s32 s0, $0x2;
	v7 =	vand.u32 $0x7F, v7;
	v20 =	vand.u32 $0xFFFFFC00, v20;
	v13 =	vadd.s32 $0x4180, v18;
	v12 =	vld.idx.msk [tilespmem:v12+s21+$0x0], $0xffff  }
0x1a4: {  	s31 =	sand.u32 $0xC00, s26;
	s0 =	sadd.s32 s0, s23;
	v7 =	vor.u32 v7, v20;
	v18 =	vadd.s32 $0x4380, v18;
	v15 =	vld.idx.msk [tilespmem:v15+s21+$0x0], $0xffff  }
0x1a5: {  	s25 =	sadd.s32 s31, s0;
	v51 =	vadd.s32 $0x4300, v7;
	v19 =	vld.idx.msk [tilespmem:v19+s21+$0x0], $0xffff  }
0x1a6: {  	v20 =	vadd.s32 $0x4000, v7;
	[tilespmem:s25+$0x23F0] =	vst v16;
	v21 =	vld.idx.msk [tilespmem:v21+s21+$0x0], $0xffff  }
0x1a7: {  	[tilespmem:s25+$0x20F0] =	vst v17;
	v17 =	vadd.s32 $0x4200, v7;
	v22 =	vld.idx.msk [tilespmem:v22+s21+$0x0], $0xffff  }
0x1a8: {  	v16 =	vadd.s32 $0x4100, v7;
	[tilespmem:s25+$0x2070] =	vst v14;
	v13 =	vld.idx.msk [tilespmem:v13+s21+$0x0], $0xffff  }
0x1a9: {  	v23 =	vadd.s32 $0x4080, v7;
	v18 =	vld.idx.msk [tilespmem:v18+s21+$0x0], $0xffff;
	[tilespmem:s25+$0x2000] =	vst v11  }
0x1aa: {  	v24 =	vshll.u32 v8, $0x3;
	v25 =	vadd.s32 $0x4280, v7;
	v53 =	vld.idx.msk [tilespmem:v51+s21+$0x0], $0xffff;
	[tilespmem:s25+$0x2080] =	vst v12  }
0x1ab: {  	v8 =	vand.u32 $0x7F, v8;
	v14 =	vadd.s32 $0x4180, v7;
	v11 =	vld.idx.msk [tilespmem:v20+s21+$0x0], $0xffff;
	v20 =	vand.u32 $0xFFFFFC00, v24;
	[tilespmem:s25+$0x2100] =	vst v15  }
0x1ac: {  	v7 =	vadd.s32 $0x4380, v7;
	v17 =	vld.idx.msk [tilespmem:v17+s21+$0x0], $0xffff;
	[tilespmem:s25+$0x2200] =	vst v19;
	v8 =	vor.u32 v8, v20  }
0x1ad: {  	v15 =	vld.idx.msk [tilespmem:v16+s21+$0x0], $0xffff;
	[tilespmem:s25+$0x2280] =	vst v21;
	v16 =	vadd.s32 $0x4000, v8  }
0x1ae: {  	v12 =	vld.idx.msk [tilespmem:v23+s21+$0x0], $0xffff;
	[tilespmem:s25+$0x2300] =	vst v22;
	v54 =	vadd.s32 $0x4200, v8  }
0x1af: {  	v20 =	vld.idx.msk [tilespmem:v25+s21+$0x0], $0xffff;
	v55 =	vadd.s32 $0x4280, v8;
	[tilespmem:s25+$0x2180] =	vst v13  }
0x1b0: {  	v13 =	vld.idx.msk [tilespmem:v14+s21+$0x0], $0xffff;
	v14 =	vadd.s32 $0x4080, v8;
	[tilespmem:s25+$0x2380] =	vst v18  }
0x1b1: {  	v7 =	vld.idx.msk [tilespmem:v7+s21+$0x0], $0xffff;
	v19 =	vadd.s32 $0x4100, v8;
	[tilespmem:s25+$0x2210] =	vst v17  }
0x1b2: {  	v52 =	vadd.s32 $0x4180, v8;
	v18 =	vshll.u32 v9, $0x3;
	[tilespmem:s25+$0x2010] =	vst v11;
	v11 =	vld.idx.msk [tilespmem:v16+s21+$0x0], $0xffff  }
0x1b3: {  	v9 =	vand.u32 $0x7F, v9;
	[tilespmem:s25+$0x2090] =	vst v12;
	v16 =	vand.u32 $0xFFFFFC00, v18;
	v18 =	vadd.s32 $0x4300, v8;
	v17 =	vld.idx.msk [tilespmem:v54+s21+$0x0], $0xffff  }
0x1b4: {  	[tilespmem:s25+$0x2290] =	vst v20;
	v8 =	vadd.s32 $0x4380, v8;
	v20 =	vld.idx.msk [tilespmem:v55+s21+$0x0], $0xffff;
	v9 =	vor.u32 v9, v16  }
0x1b5: {  	[tilespmem:s25+$0x2110] =	vst v15;
	v12 =	vld.idx.msk [tilespmem:v14+s21+$0x0], $0xffff;
	v15 =	vadd.s32 $0x4000, v9  }
0x1b6: {  	[tilespmem:s25+$0x2310] =	vst v53;
	v14 =	vld.idx.msk [tilespmem:v19+s21+$0x0], $0xffff;
	v16 =	vadd.s32 $0x4080, v9  }
0x1b7: {  	[tilespmem:s25+$0x2190] =	vst v13;
	v13 =	vld.idx.msk [tilespmem:v52+s21+$0x0], $0xffff;
	v19 =	vadd.s32 $0x4100, v9  }
0x1b8: {  	[tilespmem:s25+$0x2390] =	vst v7;
	v56 =	vadd.s32 $0x4180, v9;
	v18 =	vld.idx.msk [tilespmem:v18+s21+$0x0], $0xffff  }
0x1b9: {  	v57 =	vadd.s32 $0x4200, v9;
	v7 =	vld.idx.msk [tilespmem:v8+s21+$0x0], $0xffff;
	[tilespmem:s25+$0x2020] =	vst v11  }
0x1ba: {  	v58 =	vadd.s32 $0x4280, v9;
	v8 =	vshll.u32 v10, $0x3;
	[tilespmem:s25+$0x2220] =	vst v17;
	v11 =	vld.idx.msk [tilespmem:v15+s21+$0x0], $0xffff  }
0x1bb: {  	v10 =	vand.u32 $0x7F, v10;
	v8 =	vand.u32 $0xFFFFFC00, v8;
	[tilespmem:s25+$0x20A0] =	vst v12;
	v15 =	vadd.s32 $0x4300, v9;
	v12 =	vld.idx.msk [tilespmem:v16+s21+$0x0], $0xffff  }
0x1bc: {  	[tilespmem:s25+$0x2120] =	vst v14;
	v8 =	vor.u32 v10, v8;
	v9 =	vadd.s32 $0x4380, v9;
	v10 =	vld.idx.msk [tilespmem:v19+s21+$0x0], $0xffff  }
0x1bd: {  	[tilespmem:s25+$0x21A0] =	vst v13;
	v13 =	vld.idx.msk [tilespmem:v56+s21+$0x0], $0xffff;
	v14 =	vadd.s32 $0x4000, v8  }
0x1be: {  	[tilespmem:s25+$0x22A0] =	vst v20;
	v17 =	vld.idx.msk [tilespmem:v57+s21+$0x0], $0xffff;
	v16 =	vadd.s32 $0x4080, v8  }
0x1bf: {  	v20 =	vld.idx.msk [tilespmem:v58+s21+$0x0], $0xffff;
	v59 =	vadd.s32 $0x4180, v8;
	[tilespmem:s25+$0x2320] =	vst v18  }
0x1c0: {  	v19 =	vadd.s32 $0x4100, v8;
	[tilespmem:s25+$0x23A0] =	vst v7;
	v15 =	vld.idx.msk [tilespmem:v15+s21+$0x0], $0xffff  }
0x1c1: {  	v60 =	vadd.s32 $0x4280, v8;
	v7 =	vld.idx.msk [tilespmem:v9+s21+$0x0], $0xffff;
	[tilespmem:s25+$0x2030] =	vst v11  }
0x1c2: {  	v18 =	vadd.s32 $0x4200, v8;
	v9 =	vshll.u32 v6, $0x3;
	[tilespmem:s25+$0x20B0] =	vst v12;
	v11 =	vld.idx.msk [tilespmem:v14+s21+$0x0], $0xffff  }
0x1c3: {  	v6 =	vand.u32 $0x7F, v6;
	[tilespmem:s25+$0x2130] =	vst v10;
	v9 =	vand.u32 $0xFFFFFC00, v9;
	v14 =	vadd.s32 $0x4300, v8;
	v12 =	vld.idx.msk [tilespmem:v16+s21+$0x0], $0xffff  }
0x1c4: {  	[tilespmem:s25+$0x21B0] =	vst v13;
	v8 =	vadd.s32 $0x4380, v8;
	v16 =	vld.idx.msk [tilespmem:v59+s21+$0x0], $0xffff;
	v6 =	vor.u32 v6, v9  }
0x1c5: {  	[tilespmem:s25+$0x2230] =	vst v17;
	v9 =	vld.idx.msk [tilespmem:v19+s21+$0x0], $0xffff;
	v10 =	vadd.s32 $0x4000, v6  }
0x1c6: {  	[tilespmem:s25+$0x22B0] =	vst v20;
	v19 =	vld.idx.msk [tilespmem:v60+s21+$0x0], $0xffff;
	v13 =	vadd.s32 $0x4080, v6  }
0x1c7: {  	v17 =	vld.idx.msk [tilespmem:v18+s21+$0x0], $0xffff;
	v18 =	vadd.s32 $0x4100, v6;
	[tilespmem:s25+$0x2330] =	vst v15  }
0x1c8: {  	v20 =	vadd.s32 $0x4180, v6;
	[tilespmem:s25+$0x23B0] =	vst v7;
	v61 =	vld.idx.msk [tilespmem:v14+s21+$0x0], $0xffff  }
0x1c9: {  	v62 =	vadd.s32 $0x4200, v6;
	v7 =	vld.idx.msk [tilespmem:v8+s21+$0x0], $0xffff;
	[tilespmem:s25+$0x2040] =	vst v11  }
0x1ca: {  	v8 =	vadd.s32 $0x4280, v6;
	[tilespmem:s25+$0x20C0] =	vst v12;
	v63 =	vld.idx.msk [tilespmem:v10+s21+$0x0], $0xffff  }
0x1cb: {  	[tilespmem:s25+$0x21C0] =	vst v16;
	v10 =	vadd.s32 $0x4300, v6;
	v13 =	vld.idx.msk [tilespmem:v13+s21+$0x0], $0xffff  }
0x1cc: {  	[tilespmem:s25+$0x2140] =	vst v9;
	v9 =	vshll.u32 v5, $0x3;
	v6 =	vadd.s32 $0x4380, v6;
	v14 =	vld.idx.msk [tilespmem:v18+s21+$0x0], $0xffff  }
0x1cd: {  	v5 =	vand.u32 $0x7F, v5;
	[tilespmem:s25+$0x22C0] =	vst v19;
	v15 =	vld.idx.msk [tilespmem:v20+s21+$0x0], $0xffff;
	v9 =	vand.u32 $0xFFFFFC00, v9  }
0x1ce: {  	[tilespmem:s25+$0x2240] =	vst v17;
	v16 =	vld.idx.msk [tilespmem:v62+s21+$0x0], $0xffff;
	v5 =	vor.u32 v5, v9  }
0x1cf: {  	v12 =	vadd.s32 $0x4000, v5;
	v11 =	vadd.s32 $0x4080, v5;
	v17 =	vld.idx.msk [tilespmem:v8+s21+$0x0], $0xffff;
	[tilespmem:s25+$0x2340] =	vst v61  }
0x1d0: {  	v9 =	vadd.s32 $0x4180, v5;
	v8 =	vadd.s32 $0x4200, v5;
	[tilespmem:s25+$0x23C0] =	vst v7;
	v7 =	vadd.s32 $0x4280, v5;
	v19 =	vld.idx.msk [tilespmem:v10+s21+$0x0], $0xffff  }
0x1d1: {  	s29 =	simm.s32 $0xC0;
	s28 =	simm.s32 $0x0;
	v10 =	vadd.s32 $0x4100, v5;
	v18 =	vld.idx.msk [tilespmem:v6+s21+$0x0], $0xffff;
	v6 =	vadd.s32 $0x4300, v5;
	v5 =	vadd.s32 $0x4380, v5;
	[tilespmem:s25+$0x2050] =	vst v63  }
.LBB2_7:
0x1d2: {  	v20 =	vld [tilespmem:s29+$0x30];
	[tilespmem:s25+$0x20D0] =	vst v13  }
0x1d3: {  	v13 =	vld [tilespmem:s29+$0xFFFFFFC0];
	[tilespmem:s25+$0x2150] =	vst v14  }
0x1d4: {  	v14 =	vld [tilespmem:s29+$0xFFFFFFD0];
	[tilespmem:s25+$0x21D0] =	vst v15  }
0x1d5: {  	v15 =	vld [tilespmem:s29+$0xFFFFFFE0];
	[tilespmem:s25+$0x2250] =	vst v16  }
0x1d6: {  	v16 =	vld [tilespmem:s29+$0xFFFFFFF0];
	[tilespmem:s25+$0x22D0] =	vst v17  }
0x1d7: {  	v17 =	vld [tilespmem:s29+$0x0];
	v21 =	vshll.u32 v20, $0x3;
	[tilespmem:s25+$0x2350] =	vst v19  }
0x1d8: {  	v20 =	vand.u32 $0x7F, v20;
	v19 =	vshll.u32 v13, $0x3;
	v22 =	vld [tilespmem:s29+$0x10];
	v21 =	vand.u32 $0xFFFFFC00, v21;
	[tilespmem:s25+$0x23D0] =	vst v18  }
0x1d9: {  	v18 =	vand.u32 $0xFFFFFC00, v19;
	v19 =	vshll.u32 v14, $0x3;
	v23 =	vld [tilespmem:s29+$0x20];
	v20 =	vor.u32 v20, v21;
	[tilespmem:s25+$0x2170] =	vst v0  }
0x1da: {  	v19 =	vand.u32 $0xFFFFFC00, v19;
	v0 =	vshll.u32 v15, $0x3;
	v21 =	vadd.s32 $0x4000, v20;
	v12 =	vld.idx.msk [tilespmem:v12+s21+$0x0], $0xffff;
	[tilespmem:s25+$0x21F0] =	vst v1  }
0x1db: {  	v24 =	vadd.s32 $0x4380, v20;
	v1 =	vand.u32 $0xFFFFFC00, v0;
	v0 =	vshll.u32 v16, $0x3;
	v11 =	vld.idx.msk [tilespmem:v11+s21+$0x0], $0xffff;
	[tilespmem:s25+$0x2270] =	vst v2  }
0x1dc: {  	v25 =	vadd.s32 $0x4080, v20;
	v2 =	vand.u32 $0xFFFFFC00, v0;
	v0 =	vshll.u32 v17, $0x3;
	v10 =	vld.idx.msk [tilespmem:v10+s21+$0x0], $0xffff;
	[tilespmem:s25+$0x22F0] =	vst v3  }
0x1dd: {  	v26 =	vadd.s32 $0x4100, v20;
	v3 =	vand.u32 $0xFFFFFC00, v0;
	v0 =	vshll.u32 v22, $0x3;
	v9 =	vld.idx.msk [tilespmem:v9+s21+$0x0], $0xffff;
	[tilespmem:s25+$0x2370] =	vst v4  }
0x1de: {  	v27 =	vadd.s32 $0x4180, v20;
	v4 =	vand.u32 $0xFFFFFC00, v0;
	v0 =	vshll.u32 v23, $0x3;
	v8 =	vld.idx.msk [tilespmem:v8+s21+$0x0], $0xffff  }
0x1df: {  	s28 =	sadd.s32 $0x8, s28;
	v13 =	vand.u32 $0x7F, v13;
	v29 =	vadd.s32 $0x4200, v20;
	v28 =	vand.u32 $0xFFFFFC00, v0;
	v21 =	vld.idx.msk [tilespmem:v21+s21+$0x0], $0xffff  }
0x1e0: {  	s0 =	sshrl.u32 s28, $0x5;
	p0 =	slt.u32 s28, $0x38;
	v14 =	vand.u32 $0x7F, v14;
	v15 =	vand.u32 $0x7F, v15;
	v30 =	vadd.s32 $0x4280, v20;
	v24 =	vld.idx.msk [tilespmem:v24+s21+$0x0], $0xffff  }
0x1e1: {  	s0 =	smul.u32 $0xC000, s0;
	v20 =	vadd.s32 $0x4300, v20;
	v16 =	vand.u32 $0x7F, v16;
	v17 =	vand.u32 $0x7F, v17;
	v25 =	vld.idx.msk [tilespmem:v25+s21+$0x0], $0xffff  }
0x1e2: {  	v13 =	vor.u32 v13, v18;
	v18 =	vand.u32 $0x7F, v22;
	v22 =	vand.u32 $0x7F, v23;
	v0 =	vld.idx.msk [tilespmem:v26+s21+$0x0], $0xffff  }
0x1e3: {  	s26 =	sadd.s32 $0x400, s26;
	s0 =	sshra.s32 s0, $0x2;
	v14 =	vor.u32 v14, v19;
	v15 =	vor.u32 v15, v1;
	v16 =	vor.u32 v16, v2;
	v1 =	vld.idx.msk [tilespmem:v27+s21+$0x0], $0xffff  }
0x1e4: {  	s1 =	sand.u32 $0xC00, s26;
	s0 =	sadd.s32 s0, s23;
	v17 =	vor.u32 v17, v3;
	v18 =	vor.u32 v18, v4;
	v19 =	vor.u32 v22, v28;
	v2 =	vld.idx.msk [tilespmem:v29+s21+$0x0], $0xffff  }
0x1e5: {  	s0 =	sadd.s32 s1, s0;
	v23 =	vadd.s32 $0x4080, v13;
	v22 =	vadd.s32 $0x4000, v13;
	v26 =	vadd.s32 $0x4100, v13;
	v3 =	vld.idx.msk [tilespmem:v30+s21+$0x0], $0xffff  }
0x1e6: {  	v28 =	vadd.s32 $0x4200, v13;
	v27 =	vadd.s32 $0x4180, v13;
	v29 =	vadd.s32 $0x4280, v13;
	v4 =	vld.idx.msk [tilespmem:v20+s21+$0x0], $0xffff;
	[tilespmem:s0+$0x23F0] =	vst v24  }
0x1e7: {  	v20 =	vadd.s32 $0x4300, v13;
	v13 =	vadd.s32 $0x4380, v13;
	v24 =	vadd.s32 $0x4000, v14;
	[tilespmem:s0+$0x2070] =	vst v21;
	v7 =	vld.idx.msk [tilespmem:v7+s21+$0x0], $0xffff  }
0x1e8: {  	v31 =	vadd.s32 $0x4180, v14;
	v30 =	vadd.s32 $0x4100, v14;
	v21 =	vadd.s32 $0x4080, v14;
	[tilespmem:s0+$0x20F0] =	vst v25;
	v6 =	vld.idx.msk [tilespmem:v6+s21+$0x0], $0xffff  }
0x1e9: {  	v32 =	vadd.s32 $0x4280, v14;
	v33 =	vadd.s32 $0x4300, v14;
	v25 =	vadd.s32 $0x4200, v14;
	v5 =	vld.idx.msk [tilespmem:v5+s21+$0x0], $0xffff;
	[tilespmem:s25+$0x2060] =	vst v12  }
0x1ea: {  	v34 =	vadd.s32 $0x4080, v15;
	v14 =	vadd.s32 $0x4380, v14;
	v12 =	vld.idx.msk [tilespmem:v22+s21+$0x0], $0xffff;
	v22 =	vadd.s32 $0x4000, v15;
	[tilespmem:s25+$0x20E0] =	vst v11  }
0x1eb: {  	v35 =	vadd.s32 $0x4180, v15;
	v36 =	vadd.s32 $0x4200, v15;
	v11 =	vld.idx.msk [tilespmem:v23+s21+$0x0], $0xffff;
	v23 =	vadd.s32 $0x4100, v15;
	[tilespmem:s25+$0x2160] =	vst v10  }
0x1ec: {  	v37 =	vadd.s32 $0x4300, v15;
	v10 =	vld.idx.msk [tilespmem:v26+s21+$0x0], $0xffff;
	v26 =	vadd.s32 $0x4280, v15;
	v15 =	vadd.s32 $0x4380, v15;
	[tilespmem:s25+$0x21E0] =	vst v9  }
0x1ed: {  	v38 =	vadd.s32 $0x4080, v16;
	v39 =	vadd.s32 $0x4100, v16;
	v9 =	vld.idx.msk [tilespmem:v27+s21+$0x0], $0xffff;
	v27 =	vadd.s32 $0x4000, v16;
	[tilespmem:s25+$0x2260] =	vst v8  }
0x1ee: {  	v40 =	vadd.s32 $0x4200, v16;
	v41 =	vadd.s32 $0x4280, v16;
	v8 =	vld.idx.msk [tilespmem:v28+s21+$0x0], $0xffff;
	v28 =	vadd.s32 $0x4180, v16;
	[tilespmem:s25+$0x22E0] =	vst v7  }
0x1ef: {  	v42 =	vadd.s32 $0x4000, v17;
	v7 =	vld.idx.msk [tilespmem:v29+s21+$0x0], $0xffff;
	v29 =	vadd.s32 $0x4300, v16;
	v16 =	vadd.s32 $0x4380, v16;
	[tilespmem:s25+$0x2360] =	vst v6  }
0x1f0: {  	v43 =	vadd.s32 $0x4100, v17;
	v44 =	vadd.s32 $0x4180, v17;
	v6 =	vld.idx.msk [tilespmem:v20+s21+$0x0], $0xffff;
	v20 =	vadd.s32 $0x4080, v17;
	[tilespmem:s25+$0x23E0] =	vst v5;
	s25 =	smov.u32 s0  }
0x1f1: {  	v45 =	vadd.s32 $0x4200, v17;
	v46 =	vadd.s32 $0x4280, v17;
	v47 =	vadd.s32 $0x4300, v17;
	v13 =	vld.idx.msk [tilespmem:v13+s21+$0x0], $0xffff;
	[tilespmem:s25+$0x2000] =	vst v12  }
0x1f2: {  	v48 =	vadd.s32 $0x4000, v18;
	v49 =	vadd.s32 $0x4080, v18;
	v17 =	vadd.s32 $0x4380, v17;
	[tilespmem:s25+$0x2080] =	vst v11;
	v24 =	vld.idx.msk [tilespmem:v24+s21+$0x0], $0xffff  }
0x1f3: {  	v50 =	vadd.s32 $0x4100, v18;
	v51 =	vadd.s32 $0x4180, v18;
	v52 =	vadd.s32 $0x4200, v18;
	[tilespmem:s25+$0x2100] =	vst v10;
	v21 =	vld.idx.msk [tilespmem:v21+s21+$0x0], $0xffff  }
0x1f4: {  	v53 =	vadd.s32 $0x4280, v18;
	v54 =	vadd.s32 $0x4300, v18;
	v18 =	vadd.s32 $0x4380, v18;
	[tilespmem:s25+$0x2180] =	vst v9;
	v30 =	vld.idx.msk [tilespmem:v30+s21+$0x0], $0xffff  }
0x1f5: {  	v12 =	vadd.s32 $0x4000, v19;
	v11 =	vadd.s32 $0x4080, v19;
	v10 =	vadd.s32 $0x4100, v19;
	[tilespmem:s25+$0x2200] =	vst v8;
	v31 =	vld.idx.msk [tilespmem:v31+s21+$0x0], $0xffff  }
0x1f6: {  	v9 =	vadd.s32 $0x4180, v19;
	v8 =	vadd.s32 $0x4200, v19;
	[tilespmem:s25+$0x2280] =	vst v7;
	v25 =	vld.idx.msk [tilespmem:v25+s21+$0x0], $0xffff;
	v7 =	vadd.s32 $0x4280, v19  }
0x1f7: {  	v5 =	vadd.s32 $0x4380, v19;
	[tilespmem:s25+$0x2300] =	vst v6;
	v32 =	vld.idx.msk [tilespmem:v32+s21+$0x0], $0xffff;
	v6 =	vadd.s32 $0x4300, v19  }
0x1f8: {  	[tilespmem:s25+$0x2380] =	vst v13;
	v13 =	vld.idx.msk [tilespmem:v33+s21+$0x0], $0xffff  }
0x1f9: {  	v14 =	vld.idx.msk [tilespmem:v14+s21+$0x0], $0xffff;
	[tilespmem:s25+$0x2010] =	vst v24  }
0x1fa: {  	[tilespmem:s25+$0x2090] =	vst v21;
	v19 =	vld.idx.msk [tilespmem:v22+s21+$0x0], $0xffff  }
0x1fb: {  	[tilespmem:s25+$0x2110] =	vst v30;
	v21 =	vld.idx.msk [tilespmem:v34+s21+$0x0], $0xffff  }
0x1fc: {  	[tilespmem:s25+$0x2190] =	vst v31;
	v22 =	vld.idx.msk [tilespmem:v23+s21+$0x0], $0xffff  }
0x1fd: {  	[tilespmem:s25+$0x2210] =	vst v25;
	v23 =	vld.idx.msk [tilespmem:v35+s21+$0x0], $0xffff  }
0x1fe: {  	[tilespmem:s25+$0x2290] =	vst v32;
	v24 =	vld.idx.msk [tilespmem:v36+s21+$0x0], $0xffff  }
0x1ff: {  	[tilespmem:s25+$0x2310] =	vst v13;
	v13 =	vld.idx.msk [tilespmem:v26+s21+$0x0], $0xffff  }
0x200: {  	[tilespmem:s25+$0x2390] =	vst v14;
	v14 =	vld.idx.msk [tilespmem:v37+s21+$0x0], $0xffff  }
0x201: {  	v15 =	vld.idx.msk [tilespmem:v15+s21+$0x0], $0xffff;
	[tilespmem:s25+$0x2020] =	vst v19  }
0x202: {  	[tilespmem:s25+$0x20A0] =	vst v21;
	v19 =	vld.idx.msk [tilespmem:v27+s21+$0x0], $0xffff  }
0x203: {  	[tilespmem:s25+$0x2120] =	vst v22;
	v21 =	vld.idx.msk [tilespmem:v38+s21+$0x0], $0xffff  }
0x204: {  	[tilespmem:s25+$0x21A0] =	vst v23;
	v22 =	vld.idx.msk [tilespmem:v39+s21+$0x0], $0xffff  }
0x205: {  	[tilespmem:s25+$0x2220] =	vst v24;
	v23 =	vld.idx.msk [tilespmem:v28+s21+$0x0], $0xffff  }
0x206: {  	[tilespmem:s25+$0x22A0] =	vst v13;
	v13 =	vld.idx.msk [tilespmem:v40+s21+$0x0], $0xffff  }
0x207: {  	[tilespmem:s25+$0x2320] =	vst v14;
	v14 =	vld.idx.msk [tilespmem:v41+s21+$0x0], $0xffff  }
0x208: {  	[tilespmem:s25+$0x23A0] =	vst v15;
	v15 =	vld.idx.msk [tilespmem:v29+s21+$0x0], $0xffff  }
0x209: {  	v16 =	vld.idx.msk [tilespmem:v16+s21+$0x0], $0xffff;
	[tilespmem:s25+$0x2030] =	vst v19  }
0x20a: {  	[tilespmem:s25+$0x20B0] =	vst v21;
	v19 =	vld.idx.msk [tilespmem:v42+s21+$0x0], $0xffff  }
0x20b: {  	[tilespmem:s25+$0x2130] =	vst v22;
	v20 =	vld.idx.msk [tilespmem:v20+s21+$0x0], $0xffff  }
0x20c: {  	[tilespmem:s25+$0x21B0] =	vst v23;
	v21 =	vld.idx.msk [tilespmem:v43+s21+$0x0], $0xffff  }
0x20d: {  	[tilespmem:s25+$0x2230] =	vst v13;
	v22 =	vld.idx.msk [tilespmem:v44+s21+$0x0], $0xffff  }
0x20e: {  	[tilespmem:s25+$0x22B0] =	vst v14;
	v23 =	vld.idx.msk [tilespmem:v45+s21+$0x0], $0xffff  }
0x20f: {  	[tilespmem:s25+$0x2330] =	vst v15;
	v24 =	vld.idx.msk [tilespmem:v46+s21+$0x0], $0xffff  }
0x210: {  	[tilespmem:s25+$0x23B0] =	vst v16;
	v25 =	vld.idx.msk [tilespmem:v47+s21+$0x0], $0xffff  }
0x211: {  	v26 =	vld.idx.msk [tilespmem:v17+s21+$0x0], $0xffff;
	[tilespmem:s25+$0x2040] =	vst v19  }
0x212: {  	[tilespmem:s25+$0x20C0] =	vst v20;
	v20 =	vld.idx.msk [tilespmem:v48+s21+$0x0], $0xffff  }
0x213: {  	[tilespmem:s25+$0x2140] =	vst v21;
	v13 =	vld.idx.msk [tilespmem:v49+s21+$0x0], $0xffff  }
0x214: {  	[tilespmem:s25+$0x21C0] =	vst v22;
	v14 =	vld.idx.msk [tilespmem:v50+s21+$0x0], $0xffff  }
.Ltmp2:
0x215: {  	[tilespmem:s25+$0x2240] =	vst v23;
	v15 =	vld.idx.msk [tilespmem:v51+s21+$0x0], $0xffff;
	(pc) =	sbr.rel @p0 .LBB2_7-.Ltmp2, $4  }
0x216: {  	[tilespmem:s25+$0x22C0] =	vst v24;
	v16 =	vld.idx.msk [tilespmem:v52+s21+$0x0], $0xffff  }
0x217: {  	[tilespmem:s25+$0x2340] =	vst v25;
	v17 =	vld.idx.msk [tilespmem:v53+s21+$0x0], $0xffff  }
0x218: {  	[tilespmem:s25+$0x23C0] =	vst v26;
	v19 =	vld.idx.msk [tilespmem:v54+s21+$0x0], $0xffff  }
0x219: {  	s29 =	sadd.s32 $0x80, s29;
	v18 =	vld.idx.msk [tilespmem:v18+s21+$0x0], $0xffff;
	[tilespmem:s25+$0x2050] =	vst v20  }
0x21a: {  	[tilespmem:s25+$0x20D0] =	vst v13  }
0x21b: {  	[tilespmem:s25+$0x2150] =	vst v14  }
0x21c: {  	[tilespmem:s25+$0x21D0] =	vst v15  }
0x21d: {  	[tilespmem:s25+$0x2170] =	vst v0  }
0x21e: {  	[tilespmem:s25+$0x21F0] =	vst v1  }
0x21f: {  	v12 =	vld.idx.msk [tilespmem:v12+s21+$0x0], $0xffff;
	[tilespmem:s25+$0x2270] =	vst v2  }
0x220: {  	v11 =	vld.idx.msk [tilespmem:v11+s21+$0x0], $0xffff;
	[tilespmem:s25+$0x22F0] =	vst v3  }
0x221: {  	v10 =	vld.idx.msk [tilespmem:v10+s21+$0x0], $0xffff;
	[tilespmem:s25+$0x2370] =	vst v4  }
0x222: {  	v59 =	vld.idx.msk [tilespmem:v9+s21+$0x0], $0xffff;
	[tilespmem:s25+$0x2250] =	vst v16  }
0x223: {  	v60 =	vld.idx.msk [tilespmem:v8+s21+$0x0], $0xffff;
	[tilespmem:s25+$0x22D0] =	vst v17  }
0x224: {  	v61 =	vld.idx.msk [tilespmem:v7+s21+$0x0], $0xffff;
	s0 =	smulhi.u32 $0xAAAAAAAB, s24;
	[tilespmem:s25+$0x2350] =	vst v19  }
0x225: {  	v62 =	vld.idx.msk [tilespmem:v6+s21+$0x0], $0xffff;
	[tilespmem:s25+$0x23D0] =	vst v18  }
0x226: {  	v63 =	vld.idx.msk [tilespmem:v5+s21+$0x0], $0xffff;
	s0 =	sshrl.u32 s0, $0x4;
	[tilespmem:s25+$0x2060] =	vst v12  }
0x227: {  	s1 =	smul.u32 $0x7FFFE8, s0;
	[tilespmem:s25+$0x20E0] =	vst v11  }
0x228: {  	s0 =	smul.u32 $0x30, s0;
	[tilespmem:s25+$0x2160] =	vst v10  }
0x229: {  	[tilespmem:s25+$0x21E0] =	vst v59;
	s1 =	sadd.s32 s24, s1  }
0x22a: {  	[tilespmem:s25+$0x2260] =	vst v60;
	s0 =	sadd.s32 s0, s1  }
0x22b: {  	s30 =	sshll.u32 s20, $0x1;
	[tilespmem:s25+$0x22E0] =	vst v61;
	s0 =	sshll.u32 s0, $0x9  }
0x22c: {  	s31 =	sadd.s32 $0xF400, s22;
	[tilespmem:s25+$0x2360] =	vst v62;
	s11 =	sand.u32 $0x1FFFFE00, s0;
	s0 =	sadd.s32 $0x3000, s0  }
0x22d: {  	s20 =	sadd.s32 $0x3, s30;
	[tilespmem:s25+$0x23E0] =	vst v63;
	s11 =	sadd.s32 s2, s11;
	s0 =	sand.u32 $0x1FFFFE00, s0  }
0x22e: {  	[hbm4b:s11+s3] =	stream.linear.scatter [tilespmem:s23], [sflag:s20], $0x3000, $0x38;
	[tilespmem:$0x18400] =	vst v63  }
0x22f: {  	p0 =	sgt.u32 s18, $0xD;
	s1 =	sor.u32 $0x4, s30;
	s0 =	sadd.s32 s2, s0  }
0x230: {  	[hbm4b:s0+s3] =	stream.linear.scatter [tilespmem:s31], [sflag:s1], $0x3000, $0x38;
	[tilespmem:$0x18400] =	vst v63  }
0x231: {  	s0 =	sshll.u32 @!p0 s24, $0xA  }
0x232: {  	s18 =	sadd.s32 $0x1, s18;
	s1 =	simm.s32 @!p0 $0x0;
	s0 =	sadd.s32 @!p0 s0, s8  }
0x233: {  	[tilespmem:s21], [sflag:s19] =	stream.linear.gather @!p0 [hbm4b:s0+s1], $0x6000, $0x38;
	[tilespmem:$0x18400] =	vst v63  }
0x234: {  	p0 =	sne.s32 s18, $0x10  }
.Ltmp3:
0x235: {  	_ = 	snop;
	(pc) =	sbr.rel @p0 .LBB2_2-.Ltmp3, $1  }
0x236: {  	_ =	sdelay $0x3  }
0x237: {  	_ =	swait.ge [sflag:s13], $0x3000  }
0x238: {  	[sflag:s13] =	ssyncset.done $0x0  }
0x239: {  	[sflag:s13] =	ssyncadd.s32 $0xFFFFD000  }
0x23a: {  	_ =	swait.ge [sflag:s14], $0x3000  }
0x23b: {  	[sflag:s14] =	ssyncset.done $0x0  }
0x23c: {  	s17 =	sadd.s32 $0x1, s17;
	[sflag:s14] =	ssyncadd.s32 $0xFFFFD000  }
0x23d: {  	p0 =	sne.s32 s17, s9;
	_ =	swait.ge [sflag:s15], $0x3000  }
.Ltmp4:
0x23e: {  	[sflag:s15] =	ssyncset.done $0x0;
	(pc) =	sbr.rel @p0 .LBB2_1-.Ltmp4, $4  }
0x23f: {  	[sflag:s15] =	ssyncadd.s32 $0xFFFFD000  }
0x240: {  	_ =	swait.ge [sflag:s16], $0x3000  }
0x241: {  	[sflag:s16] =	ssyncset.done $0x0  }
0x242: {  	[sflag:s16] =	ssyncadd.s32 $0xFFFFD000  }
0x243: {  	_ =	sfence.sel $0x180000  }
0x244: {  	[bflag:$0x0] =	sbarrier.arrive $0xFFFF  }
0x245: {  	_ =	strace $0x90000047  }
0x246: {  	s0 =	stileid.u32;
	[bflag:$0x2] =	sbarrier.arrive $0xFFFF  }
0x247: {  	p0 =	sne.s32 s0, $0x0;
	s0 =	rddreg [dreg:$0x3]  }
0x248: {  	s0 =	sadd.s32 @!p0 $0x100000, s0  }
0x249: {  	[sflag:s0] =	ssyncadd.tile.s32 @!p0 $0x1;
	_ =	shalt  }
.Lfunc_end2:
_tile_overlayer_lowered:
.L_overlay_start_2:
0x24a: {  	(tag) =	ssettag $0x2  }
0x24b: {  	s0 =	rddreg [dreg:$0x0];
	s2 =	stileid.u32  }
0x24c: {  	s1 =	rddreg [dreg:$0x1];
	p0 =	sne.s32 s2, $0x0  }
0x24d: {  	s3 =	rddreg [dreg:$0x2];
	[bflag:$0x3] =	sbarrier.arrive $0xFFFF;
	s2 =	simm.s32 @!p0 $0x1C07  }
0x24e: {  	[timem:s3], [sflag:s2] =	dma.local @!p0 [hbm:s0], s1  }
0x24f: {  	s0 =	simm.s32 @!p0 $0x7  }
0x250: {  	_ =	swait.ge @!p0 [sflag:s0], s1  }
0x251: {  	s1 =	ssub.s32 @!p0 $0x0, s1;
	[sflag:s0] =	ssyncset.done @!p0 $0x0  }
0x252: {  	[sflag:s0] =	ssyncadd.s32 @!p0 s1  }
0x253: {  	[bflag:$0x3] =	sbarrier.arrive $0xFFFF  }
0x254: {  	_ =	shalt  }

</sc_bundles>
